<compile_context>
chip_gen: v7x
topology: tpu7x:2x2x1
jax: 0.10.2.dev20260603
libtpu: 0.0.44.dev20260713+nightly
codegen_flags: <defaults>
</compile_context>

<pallas_src>
import functools

import jax
import jax.numpy as jnp
from jax import lax
from jax.experimental import pallas as pl
from jax.experimental.pallas import tpu as pltpu
from jax.experimental.pallas import tpu_sc as plsc

N_NODES = 10000
N_EDGES = 320000
D_FEAT = 128

CHUNK = 64
N_CHUNKS = N_EDGES // CHUNK
NC = 2
NS = 16
NW = NC * NS
NT = (N_CHUNKS + NW - 1) // NW
LANES = 16


def _mu_body(x_ref, o_ref):
    x = x_ref[...]
    o_ref[...] = jnp.exp(-0.5 * x * x)


def _node_mu(feat):
    return pl.pallas_call(
        _mu_body,
        out_shape=jax.ShapeDtypeStruct((N_NODES, D_FEAT), jnp.float32),
        grid=(10,),
        in_specs=[pl.BlockSpec((N_NODES // 10, D_FEAT), lambda i: (i, 0))],
        out_specs=pl.BlockSpec((N_NODES // 10, D_FEAT), lambda i: (i, 0)),
    )(feat)


def _make_row_body(a_ref, b_ref, o_ref):
    def row_body(e, carry):
        for j in range(D_FEAT // LANES):
            sl = pl.ds(j * LANES, LANES)
            o_ref[e, sl] = jnp.minimum(a_ref[e, sl], b_ref[e, sl])
        return carry

    return row_body


_mesh = plsc.VectorSubcoreMesh(core_axis_name="c", subcore_axis_name="s")


@functools.partial(
    pl.kernel,
    mesh=_mesh,
    out_type=jax.ShapeDtypeStruct((N_EDGES, D_FEAT), jnp.float32),
    scratch_types=[
        pltpu.VMEM((CHUNK,), jnp.int32),
        pltpu.VMEM((CHUNK,), jnp.int32),
        pltpu.VMEM((CHUNK,), jnp.int32),
        pltpu.VMEM((CHUNK,), jnp.int32),
        pltpu.VMEM((CHUNK, D_FEAT), jnp.float32),
        pltpu.VMEM((CHUNK, D_FEAT), jnp.float32),
        pltpu.VMEM((CHUNK, D_FEAT), jnp.float32),
        pltpu.VMEM((CHUNK, D_FEAT), jnp.float32),
        pltpu.VMEM((CHUNK, D_FEAT), jnp.float32),
        pltpu.VMEM((CHUNK, D_FEAT), jnp.float32),
        pltpu.VMEM_SHARED((N_NODES, D_FEAT), jnp.float32),
        pltpu.SemaphoreType.DMA,
        pltpu.SemaphoreType.DMA,
        pltpu.SemaphoreType.DMA,
        pltpu.SemaphoreType.DMA,
        pltpu.SemaphoreType.DMA,
        pltpu.SemaphoreType.DMA,
        pltpu.SemaphoreType.DMA,
        pltpu.SemaphoreType.DMA,
    ],
)
def _edge_min_kernel(mu_hbm, src_hbm, dst_hbm, out_hbm,
                     sidx0, sidx1, didx0, didx1,
                     bufa0, bufa1, bufb0, bufb1, obuf0, obuf1,
                     mu_sh,
                     si0, si1, sga0, sga1, sgb0, sgb1, so0, so1):
    w = lax.axis_index("s") * NC + lax.axis_index("c")

    sub = lax.axis_index("s")
    for p in range(10):
        row0 = pl.multiple_of(sub * 624 + p * CHUNK, 8)
        pltpu.sync_copy(mu_hbm.at[pl.ds(row0, CHUNK)], bufa0)
        pltpu.sync_copy(bufa0, mu_sh.at[pl.ds(row0, CHUNK)])
    plsc.subcore_barrier()
    sidx = (sidx0, sidx1)
    didx = (didx0, didx1)
    bufa = (bufa0, bufa1)
    bufb = (bufb0, bufb1)
    obuf = (obuf0, obuf1)
    si = (si0, si1)
    sga = (sga0, sga1)
    sgb = (sgb0, sgb1)
    so = (so0, so1)

    def chunk_of(t):
        return NW * t + w

    def issue_idx(t, b):
        c = chunk_of(t)

        @pl.when(c < N_CHUNKS)
        def _():
            pltpu.async_copy(src_hbm.at[c], sidx[b], si[b])
            pltpu.async_copy(dst_hbm.at[c], didx[b], si[b])

    def wait_idx(t, b):
        c = chunk_of(t)

        @pl.when(c < N_CHUNKS)
        def _():
            pltpu.make_async_copy(src_hbm.at[c], sidx[b], si[b]).wait()
            pltpu.make_async_copy(dst_hbm.at[c], didx[b], si[b]).wait()

    def issue_gathers(t, b):
        c = chunk_of(t)

        @pl.when(c < N_CHUNKS)
        def _():
            pltpu.async_copy(mu_sh.at[sidx[b]], bufa[b], sga[b])
            pltpu.async_copy(mu_sh.at[didx[b]], bufb[b], sgb[b])

    def wait_gathers(t, b):
        c = chunk_of(t)

        @pl.when(c < N_CHUNKS)
        def _():
            pltpu.make_async_copy(mu_sh.at[sidx[b]], bufa[b], sga[b]).wait()
            pltpu.make_async_copy(mu_sh.at[didx[b]], bufb[b], sgb[b]).wait()

    issue_idx(0, 0)
    issue_idx(1, 1)
    wait_idx(0, 0)
    issue_gathers(0, 0)

    def body(t2, carry):
        for b in range(2):
            t = 2 * t2 + b
            bn = 1 - b
            c = chunk_of(t)

            @pl.when(t + 1 < NT)
            def _():
                wait_idx(t + 1, bn)
                issue_gathers(t + 1, bn)

            wait_gathers(t, b)

            @pl.when(t + 2 < NT)
            def _():
                issue_idx(t + 2, b)

            @pl.when((t >= 2) & (chunk_of(t - 2) < N_CHUNKS))
            def _():
                pltpu.make_async_copy(
                    obuf[b], out_hbm.at[pl.ds(0, CHUNK)], so[b]).wait()

            @pl.when(c < N_CHUNKS)
            def _():
                lax.fori_loop(0, CHUNK, _make_row_body(bufa[b], bufb[b], obuf[b]), 0)
                pltpu.async_copy(
                    obuf[b], out_hbm.at[pl.ds(c * CHUNK, CHUNK)], so[b])
        return carry

    lax.fori_loop(0, NT // 2, body, 0)

    t_last = NT - 1
    wait_gathers(t_last, 0)

    @pl.when(chunk_of(t_last - 2) < N_CHUNKS)
    def _():
        pltpu.make_async_copy(obuf[0], out_hbm.at[pl.ds(0, CHUNK)], so[0]).wait()

    @pl.when(chunk_of(t_last) < N_CHUNKS)
    def _():
        lax.fori_loop(0, CHUNK, _make_row_body(bufa0, bufb0, obuf0), 0)
        pltpu.async_copy(
            obuf0, out_hbm.at[pl.ds(chunk_of(t_last) * CHUNK, CHUNK)], so0)

    @pl.when(chunk_of(NT - 2) < N_CHUNKS)
    def _():
        pltpu.make_async_copy(obuf[1], out_hbm.at[pl.ds(0, CHUNK)], so[1]).wait()

    @pl.when(chunk_of(NT - 1) < N_CHUNKS)
    def _():
        pltpu.make_async_copy(obuf[0], out_hbm.at[pl.ds(0, CHUNK)], so[0]).wait()


def kernel(feat, edge_index, etypes):
    mu = _node_mu(feat)
    src = edge_index[0].astype(jnp.int32).reshape(N_CHUNKS, CHUNK)
    dst = edge_index[1].astype(jnp.int32).reshape(N_CHUNKS, CHUNK)
    return _edge_min_kernel(mu, src, dst)

# --- scband reference (transcript-rebuilt; emitter-appended) ---
"""Pipeline reference for scband-ante-layer-76991583748342 (READ-ONLY COPY).

The authoritative reference and input builder live on the scoring server;
editing this copy changes nothing except your own understanding.
"""

import jax, jax.numpy as jnp
import numpy as np

N_NODES = 10000
N_EDGES = 320000
D_FEAT = 128
N_ETYPES = 8


def ante_generator(nodes1, nodes2):
    # Ante_generator: pairs the src/dst node features for each edge.
    return nodes1, nodes2


def fuzzy_infer_sys(x1, x2):
    # FuzzyInferSys: Gaussian membership of each feature (center 0, sigma 1)
    # combined with the fuzzy AND (min) t-norm to form the antecedent strength
    # per edge per feature. (Original helpers are not defined in the source;
    # this is a standard zero-parameter fuzzy antecedent layer.)
    mu1 = jnp.exp(-0.5 * x1 * x1)
    mu2 = jnp.exp(-0.5 * x2 * x2)
    return jnp.minimum(mu1, mu2)


def setup_inputs(seed: int = 0) -> dict:
    key = jax.random.key(seed)
    k1, k2, k3 = jax.random.split(key, 3)
    feat = jax.random.normal(k1, (N_NODES, D_FEAT), dtype=jnp.float32)
    edge_index = jax.random.randint(k2, (2, N_EDGES), 0, N_NODES, dtype=jnp.int64)
    etypes = jax.random.randint(k3, (N_EDGES,), 0, N_ETYPES, dtype=jnp.int64)
    return {"feat": feat, "edge_index": edge_index, "etypes": etypes}


def reference(feat, edge_index, etypes):
    # g.srcdata['h'] = feat; g.apply_edges(edge_func)
    src = jnp.take(feat, edge_index[0], axis=0)  # edges.src['h'] gather
    dst = jnp.take(feat, edge_index[1], axis=0)  # edges.dst['h'] gather
    x1, x2 = ante_generator(src, dst)
    ante = fuzzy_infer_sys(x1, x2)
    return ante

if __name__ == "__main__":
    import jax
    _d = setup_inputs()
    print(jax.jit(kernel)(*tuple(_d.values())))

</pallas_src>

<mosaic_0001>
#map = affine_map<(d0, d1) -> (0, 0)>
module attributes {stable_mosaic.version = 14 : i64} {
  func.func @_edge_min_kernel(%arg0: i32, %arg1: i32, %arg2: memref<10000x128xf32, #tpu.memory_space<hbm>>, %arg3: memref<5000x64xi32, #tpu.memory_space<hbm>>, %arg4: memref<5000x64xi32, #tpu.memory_space<hbm>>, %arg5: memref<320000x128xf32, #tpu.memory_space<hbm>>, %arg6: memref<64xi32, #tpu.memory_space<vmem>>, %arg7: memref<64xi32, #tpu.memory_space<vmem>>, %arg8: memref<64xi32, #tpu.memory_space<vmem>>, %arg9: memref<64xi32, #tpu.memory_space<vmem>>, %arg10: memref<64x128xf32, #tpu.memory_space<vmem>>, %arg11: memref<64x128xf32, #tpu.memory_space<vmem>>, %arg12: memref<64x128xf32, #tpu.memory_space<vmem>>, %arg13: memref<64x128xf32, #tpu.memory_space<vmem>>, %arg14: memref<64x128xf32, #tpu.memory_space<vmem>>, %arg15: memref<64x128xf32, #tpu.memory_space<vmem>>, %arg16: memref<10000x128xf32, #tpu.memory_space<vmem_shared>>, %arg17: memref<!tpu.dma_semaphore, #tpu.memory_space<semaphore_mem>>, %arg18: memref<!tpu.dma_semaphore, #tpu.memory_space<semaphore_mem>>, %arg19: memref<!tpu.dma_semaphore, #tpu.memory_space<semaphore_mem>>, %arg20: memref<!tpu.dma_semaphore, #tpu.memory_space<semaphore_mem>>, %arg21: memref<!tpu.dma_semaphore, #tpu.memory_space<semaphore_mem>>, %arg22: memref<!tpu.dma_semaphore, #tpu.memory_space<semaphore_mem>>, %arg23: memref<!tpu.dma_semaphore, #tpu.memory_space<semaphore_mem>>, %arg24: memref<!tpu.dma_semaphore, #tpu.memory_space<semaphore_mem>>) attributes {dimension_semantics = [#tpu.dimension_semantics<core_parallel>, #tpu.dimension_semantics<subcore_parallel>], iteration_bounds = array<i64: 2, 16>, scalar_prefetch = 0 : i64, scratch_operands = 19 : i64, tpu.core_type = #tpu.core_type<sc_vector_subcore>, window_params = [{transform_indices = #map}, {transform_indices = #map}, {transform_indices = #map}, {transform_indices = #map}]} {
    %mul3A = arith.constant 2 : i32
    %mul3A_0 = arith.muli %arg1, %mul3A : i32
    %add3A = arith.addi %mul3A_0, %arg0 : i32
    %mul3A_1 = arith.constant 624 : i32
    %mul3A_2 = arith.muli %arg1, %mul3A_1 : i32
    %add3A_3 = arith.constant 0 : i32
    %add3A_4 = arith.addi %mul3A_2, %add3A_3 : i32
    %multiple_of3A = tpu.assume_multiple %add3A_4, 8 : i32
    "tpu.region"() ({
      %run_scoped3A = tpu.sem_alloc : memref<!tpu.dma_semaphore, #tpu.memory_space<semaphore_mem>>
      %dma_start3A = arith.constant 0 : i32
      %dma_start3A_115 = tpu.memref_slice %arg2[%multiple_of3A, %dma_start3A] : memref<10000x128xf32, #tpu.memory_space<hbm>> -> memref<64x128xf32, #tpu.memory_space<hbm>>
      %dma_start3A_116 = arith.constant 0 : i32
      %dma_start3A_117 = tpu.memref_slice %arg2[%multiple_of3A, %dma_start3A_116] : memref<10000x128xf32, #tpu.memory_space<hbm>> -> memref<64x128xf32, #tpu.memory_space<hbm>>
      tpu.enqueue_dma source(%dma_start3A_117 : memref<64x128xf32, #tpu.memory_space<hbm>>) target(%arg10 : memref<64x128xf32, #tpu.memory_space<vmem>>) target_semaphore(%run_scoped3A : memref<!tpu.dma_semaphore, #tpu.memory_space<semaphore_mem>>)
      %dma_wait3A = arith.constant 0 : i32
      %dma_wait3A_118 = tpu.memref_slice %arg2[%multiple_of3A, %dma_wait3A] : memref<10000x128xf32, #tpu.memory_space<hbm>> -> memref<64x128xf32, #tpu.memory_space<hbm>>
      %dma_wait3A_119 = arith.constant 0 : i32
      %dma_wait3A_120 = tpu.memref_slice %arg2[%multiple_of3A, %dma_wait3A_119] : memref<10000x128xf32, #tpu.memory_space<hbm>> -> memref<64x128xf32, #tpu.memory_space<hbm>>
      tpu.wait_dma2 semaphore(%run_scoped3A : memref<!tpu.dma_semaphore, #tpu.memory_space<semaphore_mem>>) src(%dma_wait3A_120 : memref<64x128xf32, #tpu.memory_space<hbm>>) dst(%arg10 : memref<64x128xf32, #tpu.memory_space<vmem>>)
      tpu.yield
    }) : () -> ()
    "tpu.region"() ({
      %run_scoped3A = tpu.sem_alloc : memref<!tpu.dma_semaphore, #tpu.memory_space<semaphore_mem>>
      %dma_start3A = arith.constant 0 : i32
      %dma_start3A_115 = tpu.memref_slice %arg16[%multiple_of3A, %dma_start3A] : memref<10000x128xf32, #tpu.memory_space<vmem_shared>> -> memref<64x128xf32, #tpu.memory_space<vmem_shared>>
      %dma_start3A_116 = arith.constant 0 : i32
      %dma_start3A_117 = tpu.memref_slice %arg16[%multiple_of3A, %dma_start3A_116] : memref<10000x128xf32, #tpu.memory_space<vmem_shared>> -> memref<64x128xf32, #tpu.memory_space<vmem_shared>>
      tpu.enqueue_dma source(%arg10 : memref<64x128xf32, #tpu.memory_space<vmem>>) target(%dma_start3A_117 : memref<64x128xf32, #tpu.memory_space<vmem_shared>>) target_semaphore(%run_scoped3A : memref<!tpu.dma_semaphore, #tpu.memory_space<semaphore_mem>>)
      %dma_wait3A = arith.constant 0 : i32
      %dma_wait3A_118 = tpu.memref_slice %arg16[%multiple_of3A, %dma_wait3A] : memref<10000x128xf32, #tpu.memory_space<vmem_shared>> -> memref<64x128xf32, #tpu.memory_space<vmem_shared>>
      %dma_wait3A_119 = arith.constant 0 : i32
      %dma_wait3A_120 = tpu.memref_slice %arg16[%multiple_of3A, %dma_wait3A_119] : memref<10000x128xf32, #tpu.memory_space<vmem_shared>> -> memref<64x128xf32, #tpu.memory_space<vmem_shared>>
      tpu.wait_dma2 semaphore(%run_scoped3A : memref<!tpu.dma_semaphore, #tpu.memory_space<semaphore_mem>>) src(%arg10 : memref<64x128xf32, #tpu.memory_space<vmem>>) dst(%dma_wait3A_120 : memref<64x128xf32, #tpu.memory_space<vmem_shared>>)
      tpu.yield
    }) : () -> ()
    %mul3A_5 = arith.constant 624 : i32
    %mul3A_6 = arith.muli %arg1, %mul3A_5 : i32
    %add3A_7 = arith.constant 64 : i32
    %add3A_8 = arith.addi %mul3A_6, %add3A_7 : i32
    %multiple_of3A_9 = tpu.assume_multiple %add3A_8, 8 : i32
    "tpu.region"() ({
      %run_scoped3A = tpu.sem_alloc : memref<!tpu.dma_semaphore, #tpu.memory_space<semaphore_mem>>
      %dma_start3A = arith.constant 0 : i32
      %dma_start3A_115 = tpu.memref_slice %arg2[%multiple_of3A_9, %dma_start3A] : memref<10000x128xf32, #tpu.memory_space<hbm>> -> memref<64x128xf32, #tpu.memory_space<hbm>>
      %dma_start3A_116 = arith.constant 0 : i32
      %dma_start3A_117 = tpu.memref_slice %arg2[%multiple_of3A_9, %dma_start3A_116] : memref<10000x128xf32, #tpu.memory_space<hbm>> -> memref<64x128xf32, #tpu.memory_space<hbm>>
      tpu.enqueue_dma source(%dma_start3A_117 : memref<64x128xf32, #tpu.memory_space<hbm>>) target(%arg10 : memref<64x128xf32, #tpu.memory_space<vmem>>) target_semaphore(%run_scoped3A : memref<!tpu.dma_semaphore, #tpu.memory_space<semaphore_mem>>)
      %dma_wait3A = arith.constant 0 : i32
      %dma_wait3A_118 = tpu.memref_slice %arg2[%multiple_of3A_9, %dma_wait3A] : memref<10000x128xf32, #tpu.memory_space<hbm>> -> memref<64x128xf32, #tpu.memory_space<hbm>>
      %dma_wait3A_119 = arith.constant 0 : i32
      %dma_wait3A_120 = tpu.memref_slice %arg2[%multiple_of3A_9, %dma_wait3A_119] : memref<10000x128xf32, #tpu.memory_space<hbm>> -> memref<64x128xf32, #tpu.memory_space<hbm>>
      tpu.wait_dma2 semaphore(%run_scoped3A : memref<!tpu.dma_semaphore, #tpu.memory_space<semaphore_mem>>) src(%dma_wait3A_120 : memref<64x128xf32, #tpu.memory_space<hbm>>) dst(%arg10 : memref<64x128xf32, #tpu.memory_space<vmem>>)
      tpu.yield
    }) : () -> ()
    "tpu.region"() ({
      %run_scoped3A = tpu.sem_alloc : memref<!tpu.dma_semaphore, #tpu.memory_space<semaphore_mem>>
      %dma_start3A = arith.constant 0 : i32
      %dma_start3A_115 = tpu.memref_slice %arg16[%multiple_of3A_9, %dma_start3A] : memref<10000x128xf32, #tpu.memory_space<vmem_shared>> -> memref<64x128xf32, #tpu.memory_space<vmem_shared>>
      %dma_start3A_116 = arith.constant 0 : i32
      %dma_start3A_117 = tpu.memref_slice %arg16[%multiple_of3A_9, %dma_start3A_116] : memref<10000x128xf32, #tpu.memory_space<vmem_shared>> -> memref<64x128xf32, #tpu.memory_space<vmem_shared>>
      tpu.enqueue_dma source(%arg10 : memref<64x128xf32, #tpu.memory_space<vmem>>) target(%dma_start3A_117 : memref<64x128xf32, #tpu.memory_space<vmem_shared>>) target_semaphore(%run_scoped3A : memref<!tpu.dma_semaphore, #tpu.memory_space<semaphore_mem>>)
      %dma_wait3A = arith.constant 0 : i32
      %dma_wait3A_118 = tpu.memref_slice %arg16[%multiple_of3A_9, %dma_wait3A] : memref<10000x128xf32, #tpu.memory_space<vmem_shared>> -> memref<64x128xf32, #tpu.memory_space<vmem_shared>>
      %dma_wait3A_119 = arith.constant 0 : i32
      %dma_wait3A_120 = tpu.memref_slice %arg16[%multiple_of3A_9, %dma_wait3A_119] : memref<10000x128xf32, #tpu.memory_space<vmem_shared>> -> memref<64x128xf32, #tpu.memory_space<vmem_shared>>
      tpu.wait_dma2 semaphore(%run_scoped3A : memref<!tpu.dma_semaphore, #tpu.memory_space<semaphore_mem>>) src(%arg10 : memref<64x128xf32, #tpu.memory_space<vmem>>) dst(%dma_wait3A_120 : memref<64x128xf32, #tpu.memory_space<vmem_shared>>)
      tpu.yield
    }) : () -> ()
    %mul3A_10 = arith.constant 624 : i32
    %mul3A_11 = arith.muli %arg1, %mul3A_10 : i32
    %add3A_12 = arith.constant 128 : i32
    %add3A_13 = arith.addi %mul3A_11, %add3A_12 : i32
    %multiple_of3A_14 = tpu.assume_multiple %add3A_13, 8 : i32
    "tpu.region"() ({
      %run_scoped3A = tpu.sem_alloc : memref<!tpu.dma_semaphore, #tpu.memory_space<semaphore_mem>>
      %dma_start3A = arith.constant 0 : i32
      %dma_start3A_115 = tpu.memref_slice %arg2[%multiple_of3A_14, %dma_start3A] : memref<10000x128xf32, #tpu.memory_space<hbm>> -> memref<64x128xf32, #tpu.memory_space<hbm>>
      %dma_start3A_116 = arith.constant 0 : i32
      %dma_start3A_117 = tpu.memref_slice %arg2[%multiple_of3A_14, %dma_start3A_116] : memref<10000x128xf32, #tpu.memory_space<hbm>> -> memref<64x128xf32, #tpu.memory_space<hbm>>
      tpu.enqueue_dma source(%dma_start3A_117 : memref<64x128xf32, #tpu.memory_space<hbm>>) target(%arg10 : memref<64x128xf32, #tpu.memory_space<vmem>>) target_semaphore(%run_scoped3A : memref<!tpu.dma_semaphore, #tpu.memory_space<semaphore_mem>>)
      %dma_wait3A = arith.constant 0 : i32
      %dma_wait3A_118 = tpu.memref_slice %arg2[%multiple_of3A_14, %dma_wait3A] : memref<10000x128xf32, #tpu.memory_space<hbm>> -> memref<64x128xf32, #tpu.memory_space<hbm>>
      %dma_wait3A_119 = arith.constant 0 : i32
      %dma_wait3A_120 = tpu.memref_slice %arg2[%multiple_of3A_14, %dma_wait3A_119] : memref<10000x128xf32, #tpu.memory_space<hbm>> -> memref<64x128xf32, #tpu.memory_space<hbm>>
      tpu.wait_dma2 semaphore(%run_scoped3A : memref<!tpu.dma_semaphore, #tpu.memory_space<semaphore_mem>>) src(%dma_wait3A_120 : memref<64x128xf32, #tpu.memory_space<hbm>>) dst(%arg10 : memref<64x128xf32, #tpu.memory_space<vmem>>)
      tpu.yield
    }) : () -> ()
    "tpu.region"() ({
      %run_scoped3A = tpu.sem_alloc : memref<!tpu.dma_semaphore, #tpu.memory_space<semaphore_mem>>
      %dma_start3A = arith.constant 0 : i32
      %dma_start3A_115 = tpu.memref_slice %arg16[%multiple_of3A_14, %dma_start3A] : memref<10000x128xf32, #tpu.memory_space<vmem_shared>> -> memref<64x128xf32, #tpu.memory_space<vmem_shared>>
      %dma_start3A_116 = arith.constant 0 : i32
      %dma_start3A_117 = tpu.memref_slice %arg16[%multiple_of3A_14, %dma_start3A_116] : memref<10000x128xf32, #tpu.memory_space<vmem_shared>> -> memref<64x128xf32, #tpu.memory_space<vmem_shared>>
      tpu.enqueue_dma source(%arg10 : memref<64x128xf32, #tpu.memory_space<vmem>>) target(%dma_start3A_117 : memref<64x128xf32, #tpu.memory_space<vmem_shared>>) target_semaphore(%run_scoped3A : memref<!tpu.dma_semaphore, #tpu.memory_space<semaphore_mem>>)
      %dma_wait3A = arith.constant 0 : i32
      %dma_wait3A_118 = tpu.memref_slice %arg16[%multiple_of3A_14, %dma_wait3A] : memref<10000x128xf32, #tpu.memory_space<vmem_shared>> -> memref<64x128xf32, #tpu.memory_space<vmem_shared>>
      %dma_wait3A_119 = arith.constant 0 : i32
      %dma_wait3A_120 = tpu.memref_slice %arg16[%multiple_of3A_14, %dma_wait3A_119] : memref<10000x128xf32, #tpu.memory_space<vmem_shared>> -> memref<64x128xf32, #tpu.memory_space<vmem_shared>>
      tpu.wait_dma2 semaphore(%run_scoped3A : memref<!tpu.dma_semaphore, #tpu.memory_space<semaphore_mem>>) src(%arg10 : memref<64x128xf32, #tpu.memory_space<vmem>>) dst(%dma_wait3A_120 : memref<64x128xf32, #tpu.memory_space<vmem_shared>>)
      tpu.yield
    }) : () -> ()
    %mul3A_15 = arith.constant 624 : i32
    %mul3A_16 = arith.muli %arg1, %mul3A_15 : i32
    %add3A_17 = arith.constant 192 : i32
    %add3A_18 = arith.addi %mul3A_16, %add3A_17 : i32
    %multiple_of3A_19 = tpu.assume_multiple %add3A_18, 8 : i32
    "tpu.region"() ({
      %run_scoped3A = tpu.sem_alloc : memref<!tpu.dma_semaphore, #tpu.memory_space<semaphore_mem>>
      %dma_start3A = arith.constant 0 : i32
      %dma_start3A_115 = tpu.memref_slice %arg2[%multiple_of3A_19, %dma_start3A] : memref<10000x128xf32, #tpu.memory_space<hbm>> -> memref<64x128xf32, #tpu.memory_space<hbm>>
      %dma_start3A_116 = arith.constant 0 : i32
      %dma_start3A_117 = tpu.memref_slice %arg2[%multiple_of3A_19, %dma_start3A_116] : memref<10000x128xf32, #tpu.memory_space<hbm>> -> memref<64x128xf32, #tpu.memory_space<hbm>>
      tpu.enqueue_dma source(%dma_start3A_117 : memref<64x128xf32, #tpu.memory_space<hbm>>) target(%arg10 : memref<64x128xf32, #tpu.memory_space<vmem>>) target_semaphore(%run_scoped3A : memref<!tpu.dma_semaphore, #tpu.memory_space<semaphore_mem>>)
      %dma_wait3A = arith.constant 0 : i32
      %dma_wait3A_118 = tpu.memref_slice %arg2[%multiple_of3A_19, %dma_wait3A] : memref<10000x128xf32, #tpu.memory_space<hbm>> -> memref<64x128xf32, #tpu.memory_space<hbm>>
      %dma_wait3A_119 = arith.constant 0 : i32
      %dma_wait3A_120 = tpu.memref_slice %arg2[%multiple_of3A_19, %dma_wait3A_119] : memref<10000x128xf32, #tpu.memory_space<hbm>> -> memref<64x128xf32, #tpu.memory_space<hbm>>
      tpu.wait_dma2 semaphore(%run_scoped3A : memref<!tpu.dma_semaphore, #tpu.memory_space<semaphore_mem>>) src(%dma_wait3A_120 : memref<64x128xf32, #tpu.memory_space<hbm>>) dst(%arg10 : memref<64x128xf32, #tpu.memory_space<vmem>>)
      tpu.yield
    }) : () -> ()
    "tpu.region"() ({
      %run_scoped3A = tpu.sem_alloc : memref<!tpu.dma_semaphore, #tpu.memory_space<semaphore_mem>>
      %dma_start3A = arith.constant 0 : i32
      %dma_start3A_115 = tpu.memref_slice %arg16[%multiple_of3A_19, %dma_start3A] : memref<10000x128xf32, #tpu.memory_space<vmem_shared>> -> memref<64x128xf32, #tpu.memory_space<vmem_shared>>
      %dma_start3A_116 = arith.constant 0 : i32
      %dma_start3A_117 = tpu.memref_slice %arg16[%multiple_of3A_19, %dma_start3A_116] : memref<10000x128xf32, #tpu.memory_space<vmem_shared>> -> memref<64x128xf32, #tpu.memory_space<vmem_shared>>
      tpu.enqueue_dma source(%arg10 : memref<64x128xf32, #tpu.memory_space<vmem>>) target(%dma_start3A_117 : memref<64x128xf32, #tpu.memory_space<vmem_shared>>) target_semaphore(%run_scoped3A : memref<!tpu.dma_semaphore, #tpu.memory_space<semaphore_mem>>)
      %dma_wait3A = arith.constant 0 : i32
      %dma_wait3A_118 = tpu.memref_slice %arg16[%multiple_of3A_19, %dma_wait3A] : memref<10000x128xf32, #tpu.memory_space<vmem_shared>> -> memref<64x128xf32, #tpu.memory_space<vmem_shared>>
      %dma_wait3A_119 = arith.constant 0 : i32
      %dma_wait3A_120 = tpu.memref_slice %arg16[%multiple_of3A_19, %dma_wait3A_119] : memref<10000x128xf32, #tpu.memory_space<vmem_shared>> -> memref<64x128xf32, #tpu.memory_space<vmem_shared>>
      tpu.wait_dma2 semaphore(%run_scoped3A : memref<!tpu.dma_semaphore, #tpu.memory_space<semaphore_mem>>) src(%arg10 : memref<64x128xf32, #tpu.memory_space<vmem>>) dst(%dma_wait3A_120 : memref<64x128xf32, #tpu.memory_space<vmem_shared>>)
      tpu.yield
    }) : () -> ()
    %mul3A_20 = arith.constant 624 : i32
    %mul3A_21 = arith.muli %arg1, %mul3A_20 : i32
    %add3A_22 = arith.constant 256 : i32
    %add3A_23 = arith.addi %mul3A_21, %add3A_22 : i32
    %multiple_of3A_24 = tpu.assume_multiple %add3A_23, 8 : i32
    "tpu.region"() ({
      %run_scoped3A = tpu.sem_alloc : memref<!tpu.dma_semaphore, #tpu.memory_space<semaphore_mem>>
      %dma_start3A = arith.constant 0 : i32
      %dma_start3A_115 = tpu.memref_slice %arg2[%multiple_of3A_24, %dma_start3A] : memref<10000x128xf32, #tpu.memory_space<hbm>> -> memref<64x128xf32, #tpu.memory_space<hbm>>
      %dma_start3A_116 = arith.constant 0 : i32
      %dma_start3A_117 = tpu.memref_slice %arg2[%multiple_of3A_24, %dma_start3A_116] : memref<10000x128xf32, #tpu.memory_space<hbm>> -> memref<64x128xf32, #tpu.memory_space<hbm>>
      tpu.enqueue_dma source(%dma_start3A_117 : memref<64x128xf32, #tpu.memory_space<hbm>>) target(%arg10 : memref<64x128xf32, #tpu.memory_space<vmem>>) target_semaphore(%run_scoped3A : memref<!tpu.dma_semaphore, #tpu.memory_space<semaphore_mem>>)
      %dma_wait3A = arith.constant 0 : i32
      %dma_wait3A_118 = tpu.memref_slice %arg2[%multiple_of3A_24, %dma_wait3A] : memref<10000x128xf32, #tpu.memory_space<hbm>> -> memref<64x128xf32, #tpu.memory_space<hbm>>
      %dma_wait3A_119 = arith.constant 0 : i32
      %dma_wait3A_120 = tpu.memref_slice %arg2[%multiple_of3A_24, %dma_wait3A_119] : memref<10000x128xf32, #tpu.memory_space<hbm>> -> memref<64x128xf32, #tpu.memory_space<hbm>>
      tpu.wait_dma2 semaphore(%run_scoped3A : memref<!tpu.dma_semaphore, #tpu.memory_space<semaphore_mem>>) src(%dma_wait3A_120 : memref<64x128xf32, #tpu.memory_space<hbm>>) dst(%arg10 : memref<64x128xf32, #tpu.memory_space<vmem>>)
      tpu.yield
    }) : () -> ()
    "tpu.region"() ({
      %run_scoped3A = tpu.sem_alloc : memref<!tpu.dma_semaphore, #tpu.memory_space<semaphore_mem>>
      %dma_start3A = arith.constant 0 : i32
      %dma_start3A_115 = tpu.memref_slice %arg16[%multiple_of3A_24, %dma_start3A] : memref<10000x128xf32, #tpu.memory_space<vmem_shared>> -> memref<64x128xf32, #tpu.memory_space<vmem_shared>>
      %dma_start3A_116 = arith.constant 0 : i32
      %dma_start3A_117 = tpu.memref_slice %arg16[%multiple_of3A_24, %dma_start3A_116] : memref<10000x128xf32, #tpu.memory_space<vmem_shared>> -> memref<64x128xf32, #tpu.memory_space<vmem_shared>>
      tpu.enqueue_dma source(%arg10 : memref<64x128xf32, #tpu.memory_space<vmem>>) target(%dma_start3A_117 : memref<64x128xf32, #tpu.memory_space<vmem_shared>>) target_semaphore(%run_scoped3A : memref<!tpu.dma_semaphore, #tpu.memory_space<semaphore_mem>>)
      %dma_wait3A = arith.constant 0 : i32
      %dma_wait3A_118 = tpu.memref_slice %arg16[%multiple_of3A_24, %dma_wait3A] : memref<10000x128xf32, #tpu.memory_space<vmem_shared>> -> memref<64x128xf32, #tpu.memory_space<vmem_shared>>
      %dma_wait3A_119 = arith.constant 0 : i32
      %dma_wait3A_120 = tpu.memref_slice %arg16[%multiple_of3A_24, %dma_wait3A_119] : memref<10000x128xf32, #tpu.memory_space<vmem_shared>> -> memref<64x128xf32, #tpu.memory_space<vmem_shared>>
      tpu.wait_dma2 semaphore(%run_scoped3A : memref<!tpu.dma_semaphore, #tpu.memory_space<semaphore_mem>>) src(%arg10 : memref<64x128xf32, #tpu.memory_space<vmem>>) dst(%dma_wait3A_120 : memref<64x128xf32, #tpu.memory_space<vmem_shared>>)
      tpu.yield
    }) : () -> ()
    %mul3A_25 = arith.constant 624 : i32
    %mul3A_26 = arith.muli %arg1, %mul3A_25 : i32
    %add3A_27 = arith.constant 320 : i32
    %add3A_28 = arith.addi %mul3A_26, %add3A_27 : i32
    %multiple_of3A_29 = tpu.assume_multiple %add3A_28, 8 : i32
    "tpu.region"() ({
      %run_scoped3A = tpu.sem_alloc : memref<!tpu.dma_semaphore, #tpu.memory_space<semaphore_mem>>
      %dma_start3A = arith.constant 0 : i32
      %dma_start3A_115 = tpu.memref_slice %arg2[%multiple_of3A_29, %dma_start3A] : memref<10000x128xf32, #tpu.memory_space<hbm>> -> memref<64x128xf32, #tpu.memory_space<hbm>>
      %dma_start3A_116 = arith.constant 0 : i32
      %dma_start3A_117 = tpu.memref_slice %arg2[%multiple_of3A_29, %dma_start3A_116] : memref<10000x128xf32, #tpu.memory_space<hbm>> -> memref<64x128xf32, #tpu.memory_space<hbm>>
      tpu.enqueue_dma source(%dma_start3A_117 : memref<64x128xf32, #tpu.memory_space<hbm>>) target(%arg10 : memref<64x128xf32, #tpu.memory_space<vmem>>) target_semaphore(%run_scoped3A : memref<!tpu.dma_semaphore, #tpu.memory_space<semaphore_mem>>)
      %dma_wait3A = arith.constant 0 : i32
      %dma_wait3A_118 = tpu.memref_slice %arg2[%multiple_of3A_29, %dma_wait3A] : memref<10000x128xf32, #tpu.memory_space<hbm>> -> memref<64x128xf32, #tpu.memory_space<hbm>>
      %dma_wait3A_119 = arith.constant 0 : i32
      %dma_wait3A_120 = tpu.memref_slice %arg2[%multiple_of3A_29, %dma_wait3A_119] : memref<10000x128xf32, #tpu.memory_space<hbm>> -> memref<64x128xf32, #tpu.memory_space<hbm>>
      tpu.wait_dma2 semaphore(%run_scoped3A : memref<!tpu.dma_semaphore, #tpu.memory_space<semaphore_mem>>) src(%dma_wait3A_120 : memref<64x128xf32, #tpu.memory_space<hbm>>) dst(%arg10 : memref<64x128xf32, #tpu.memory_space<vmem>>)
      tpu.yield
    }) : () -> ()
    "tpu.region"() ({
      %run_scoped3A = tpu.sem_alloc : memref<!tpu.dma_semaphore, #tpu.memory_space<semaphore_mem>>
      %dma_start3A = arith.constant 0 : i32
      %dma_start3A_115 = tpu.memref_slice %arg16[%multiple_of3A_29, %dma_start3A] : memref<10000x128xf32, #tpu.memory_space<vmem_shared>> -> memref<64x128xf32, #tpu.memory_space<vmem_shared>>
      %dma_start3A_116 = arith.constant 0 : i32
      %dma_start3A_117 = tpu.memref_slice %arg16[%multiple_of3A_29, %dma_start3A_116] : memref<10000x128xf32, #tpu.memory_space<vmem_shared>> -> memref<64x128xf32, #tpu.memory_space<vmem_shared>>
      tpu.enqueue_dma source(%arg10 : memref<64x128xf32, #tpu.memory_space<vmem>>) target(%dma_start3A_117 : memref<64x128xf32, #tpu.memory_space<vmem_shared>>) target_semaphore(%run_scoped3A : memref<!tpu.dma_semaphore, #tpu.memory_space<semaphore_mem>>)
      %dma_wait3A = arith.constant 0 : i32
      %dma_wait3A_118 = tpu.memref_slice %arg16[%multiple_of3A_29, %dma_wait3A] : memref<10000x128xf32, #tpu.memory_space<vmem_shared>> -> memref<64x128xf32, #tpu.memory_space<vmem_shared>>
      %dma_wait3A_119 = arith.constant 0 : i32
      %dma_wait3A_120 = tpu.memref_slice %arg16[%multiple_of3A_29, %dma_wait3A_119] : memref<10000x128xf32, #tpu.memory_space<vmem_shared>> -> memref<64x128xf32, #tpu.memory_space<vmem_shared>>
      tpu.wait_dma2 semaphore(%run_scoped3A : memref<!tpu.dma_semaphore, #tpu.memory_space<semaphore_mem>>) src(%arg10 : memref<64x128xf32, #tpu.memory_space<vmem>>) dst(%dma_wait3A_120 : memref<64x128xf32, #tpu.memory_space<vmem_shared>>)
      tpu.yield
    }) : () -> ()
    %mul3A_30 = arith.constant 624 : i32
    %mul3A_31 = arith.muli %arg1, %mul3A_30 : i32
    %add3A_32 = arith.constant 384 : i32
    %add3A_33 = arith.addi %mul3A_31, %add3A_32 : i32
    %multiple_of3A_34 = tpu.assume_multiple %add3A_33, 8 : i32
    "tpu.region"() ({
      %run_scoped3A = tpu.sem_alloc : memref<!tpu.dma_semaphore, #tpu.memory_space<semaphore_mem>>
      %dma_start3A = arith.constant 0 : i32
      %dma_start3A_115 = tpu.memref_slice %arg2[%multiple_of3A_34, %dma_start3A] : memref<10000x128xf32, #tpu.memory_space<hbm>> -> memref<64x128xf32, #tpu.memory_space<hbm>>
      %dma_start3A_116 = arith.constant 0 : i32
      %dma_start3A_117 = tpu.memref_slice %arg2[%multiple_of3A_34, %dma_start3A_116] : memref<10000x128xf32, #tpu.memory_space<hbm>> -> memref<64x128xf32, #tpu.memory_space<hbm>>
      tpu.enqueue_dma source(%dma_start3A_117 : memref<64x128xf32, #tpu.memory_space<hbm>>) target(%arg10 : memref<64x128xf32, #tpu.memory_space<vmem>>) target_semaphore(%run_scoped3A : memref<!tpu.dma_semaphore, #tpu.memory_space<semaphore_mem>>)
      %dma_wait3A = arith.constant 0 : i32
      %dma_wait3A_118 = tpu.memref_slice %arg2[%multiple_of3A_34, %dma_wait3A] : memref<10000x128xf32, #tpu.memory_space<hbm>> -> memref<64x128xf32, #tpu.memory_space<hbm>>
      %dma_wait3A_119 = arith.constant 0 : i32
      %dma_wait3A_120 = tpu.memref_slice %arg2[%multiple_of3A_34, %dma_wait3A_119] : memref<10000x128xf32, #tpu.memory_space<hbm>> -> memref<64x128xf32, #tpu.memory_space<hbm>>
      tpu.wait_dma2 semaphore(%run_scoped3A : memref<!tpu.dma_semaphore, #tpu.memory_space<semaphore_mem>>) src(%dma_wait3A_120 : memref<64x128xf32, #tpu.memory_space<hbm>>) dst(%arg10 : memref<64x128xf32, #tpu.memory_space<vmem>>)
      tpu.yield
    }) : () -> ()
    "tpu.region"() ({
      %run_scoped3A = tpu.sem_alloc : memref<!tpu.dma_semaphore, #tpu.memory_space<semaphore_mem>>
      %dma_start3A = arith.constant 0 : i32
      %dma_start3A_115 = tpu.memref_slice %arg16[%multiple_of3A_34, %dma_start3A] : memref<10000x128xf32, #tpu.memory_space<vmem_shared>> -> memref<64x128xf32, #tpu.memory_space<vmem_shared>>
      %dma_start3A_116 = arith.constant 0 : i32
      %dma_start3A_117 = tpu.memref_slice %arg16[%multiple_of3A_34, %dma_start3A_116] : memref<10000x128xf32, #tpu.memory_space<vmem_shared>> -> memref<64x128xf32, #tpu.memory_space<vmem_shared>>
      tpu.enqueue_dma source(%arg10 : memref<64x128xf32, #tpu.memory_space<vmem>>) target(%dma_start3A_117 : memref<64x128xf32, #tpu.memory_space<vmem_shared>>) target_semaphore(%run_scoped3A : memref<!tpu.dma_semaphore, #tpu.memory_space<semaphore_mem>>)
      %dma_wait3A = arith.constant 0 : i32
      %dma_wait3A_118 = tpu.memref_slice %arg16[%multiple_of3A_34, %dma_wait3A] : memref<10000x128xf32, #tpu.memory_space<vmem_shared>> -> memref<64x128xf32, #tpu.memory_space<vmem_shared>>
      %dma_wait3A_119 = arith.constant 0 : i32
      %dma_wait3A_120 = tpu.memref_slice %arg16[%multiple_of3A_34, %dma_wait3A_119] : memref<10000x128xf32, #tpu.memory_space<vmem_shared>> -> memref<64x128xf32, #tpu.memory_space<vmem_shared>>
      tpu.wait_dma2 semaphore(%run_scoped3A : memref<!tpu.dma_semaphore, #tpu.memory_space<semaphore_mem>>) src(%arg10 : memref<64x128xf32, #tpu.memory_space<vmem>>) dst(%dma_wait3A_120 : memref<64x128xf32, #tpu.memory_space<vmem_shared>>)
      tpu.yield
    }) : () -> ()
    %mul3A_35 = arith.constant 624 : i32
    %mul3A_36 = arith.muli %arg1, %mul3A_35 : i32
    %add3A_37 = arith.constant 448 : i32
    %add3A_38 = arith.addi %mul3A_36, %add3A_37 : i32
    %multiple_of3A_39 = tpu.assume_multiple %add3A_38, 8 : i32
    "tpu.region"() ({
      %run_scoped3A = tpu.sem_alloc : memref<!tpu.dma_semaphore, #tpu.memory_space<semaphore_mem>>
      %dma_start3A = arith.constant 0 : i32
      %dma_start3A_115 = tpu.memref_slice %arg2[%multiple_of3A_39, %dma_start3A] : memref<10000x128xf32, #tpu.memory_space<hbm>> -> memref<64x128xf32, #tpu.memory_space<hbm>>
      %dma_start3A_116 = arith.constant 0 : i32
      %dma_start3A_117 = tpu.memref_slice %arg2[%multiple_of3A_39, %dma_start3A_116] : memref<10000x128xf32, #tpu.memory_space<hbm>> -> memref<64x128xf32, #tpu.memory_space<hbm>>
      tpu.enqueue_dma source(%dma_start3A_117 : memref<64x128xf32, #tpu.memory_space<hbm>>) target(%arg10 : memref<64x128xf32, #tpu.memory_space<vmem>>) target_semaphore(%run_scoped3A : memref<!tpu.dma_semaphore, #tpu.memory_space<semaphore_mem>>)
      %dma_wait3A = arith.constant 0 : i32
      %dma_wait3A_118 = tpu.memref_slice %arg2[%multiple_of3A_39, %dma_wait3A] : memref<10000x128xf32, #tpu.memory_space<hbm>> -> memref<64x128xf32, #tpu.memory_space<hbm>>
      %dma_wait3A_119 = arith.constant 0 : i32
      %dma_wait3A_120 = tpu.memref_slice %arg2[%multiple_of3A_39, %dma_wait3A_119] : memref<10000x128xf32, #tpu.memory_space<hbm>> -> memref<64x128xf32, #tpu.memory_space<hbm>>
      tpu.wait_dma2 semaphore(%run_scoped3A : memref<!tpu.dma_semaphore, #tpu.memory_space<semaphore_mem>>) src(%dma_wait3A_120 : memref<64x128xf32, #tpu.memory_space<hbm>>) dst(%arg10 : memref<64x128xf32, #tpu.memory_space<vmem>>)
      tpu.yield
    }) : () -> ()
    "tpu.region"() ({
      %run_scoped3A = tpu.sem_alloc : memref<!tpu.dma_semaphore, #tpu.memory_space<semaphore_mem>>
      %dma_start3A = arith.constant 0 : i32
      %dma_start3A_115 = tpu.memref_slice %arg16[%multiple_of3A_39, %dma_start3A] : memref<10000x128xf32, #tpu.memory_space<vmem_shared>> -> memref<64x128xf32, #tpu.memory_space<vmem_shared>>
      %dma_start3A_116 = arith.constant 0 : i32
      %dma_start3A_117 = tpu.memref_slice %arg16[%multiple_of3A_39, %dma_start3A_116] : memref<10000x128xf32, #tpu.memory_space<vmem_shared>> -> memref<64x128xf32, #tpu.memory_space<vmem_shared>>
      tpu.enqueue_dma source(%arg10 : memref<64x128xf32, #tpu.memory_space<vmem>>) target(%dma_start3A_117 : memref<64x128xf32, #tpu.memory_space<vmem_shared>>) target_semaphore(%run_scoped3A : memref<!tpu.dma_semaphore, #tpu.memory_space<semaphore_mem>>)
      %dma_wait3A = arith.constant 0 : i32
      %dma_wait3A_118 = tpu.memref_slice %arg16[%multiple_of3A_39, %dma_wait3A] : memref<10000x128xf32, #tpu.memory_space<vmem_shared>> -> memref<64x128xf32, #tpu.memory_space<vmem_shared>>
      %dma_wait3A_119 = arith.constant 0 : i32
      %dma_wait3A_120 = tpu.memref_slice %arg16[%multiple_of3A_39, %dma_wait3A_119] : memref<10000x128xf32, #tpu.memory_space<vmem_shared>> -> memref<64x128xf32, #tpu.memory_space<vmem_shared>>
      tpu.wait_dma2 semaphore(%run_scoped3A : memref<!tpu.dma_semaphore, #tpu.memory_space<semaphore_mem>>) src(%arg10 : memref<64x128xf32, #tpu.memory_space<vmem>>) dst(%dma_wait3A_120 : memref<64x128xf32, #tpu.memory_space<vmem_shared>>)
      tpu.yield
    }) : () -> ()
    %mul3A_40 = arith.constant 624 : i32
    %mul3A_41 = arith.muli %arg1, %mul3A_40 : i32
    %add3A_42 = arith.constant 512 : i32
    %add3A_43 = arith.addi %mul3A_41, %add3A_42 : i32
    %multiple_of3A_44 = tpu.assume_multiple %add3A_43, 8 : i32
    "tpu.region"() ({
      %run_scoped3A = tpu.sem_alloc : memref<!tpu.dma_semaphore, #tpu.memory_space<semaphore_mem>>
      %dma_start3A = arith.constant 0 : i32
      %dma_start3A_115 = tpu.memref_slice %arg2[%multiple_of3A_44, %dma_start3A] : memref<10000x128xf32, #tpu.memory_space<hbm>> -> memref<64x128xf32, #tpu.memory_space<hbm>>
      %dma_start3A_116 = arith.constant 0 : i32
      %dma_start3A_117 = tpu.memref_slice %arg2[%multiple_of3A_44, %dma_start3A_116] : memref<10000x128xf32, #tpu.memory_space<hbm>> -> memref<64x128xf32, #tpu.memory_space<hbm>>
      tpu.enqueue_dma source(%dma_start3A_117 : memref<64x128xf32, #tpu.memory_space<hbm>>) target(%arg10 : memref<64x128xf32, #tpu.memory_space<vmem>>) target_semaphore(%run_scoped3A : memref<!tpu.dma_semaphore, #tpu.memory_space<semaphore_mem>>)
      %dma_wait3A = arith.constant 0 : i32
      %dma_wait3A_118 = tpu.memref_slice %arg2[%multiple_of3A_44, %dma_wait3A] : memref<10000x128xf32, #tpu.memory_space<hbm>> -> memref<64x128xf32, #tpu.memory_space<hbm>>
      %dma_wait3A_119 = arith.constant 0 : i32
      %dma_wait3A_120 = tpu.memref_slice %arg2[%multiple_of3A_44, %dma_wait3A_119] : memref<10000x128xf32, #tpu.memory_space<hbm>> -> memref<64x128xf32, #tpu.memory_space<hbm>>
      tpu.wait_dma2 semaphore(%run_scoped3A : memref<!tpu.dma_semaphore, #tpu.memory_space<semaphore_mem>>) src(%dma_wait3A_120 : memref<64x128xf32, #tpu.memory_space<hbm>>) dst(%arg10 : memref<64x128xf32, #tpu.memory_space<vmem>>)
      tpu.yield
    }) : () -> ()
    "tpu.region"() ({
      %run_scoped3A = tpu.sem_alloc : memref<!tpu.dma_semaphore, #tpu.memory_space<semaphore_mem>>
      %dma_start3A = arith.constant 0 : i32
      %dma_start3A_115 = tpu.memref_slice %arg16[%multiple_of3A_44, %dma_start3A] : memref<10000x128xf32, #tpu.memory_space<vmem_shared>> -> memref<64x128xf32, #tpu.memory_space<vmem_shared>>
      %dma_start3A_116 = arith.constant 0 : i32
      %dma_start3A_117 = tpu.memref_slice %arg16[%multiple_of3A_44, %dma_start3A_116] : memref<10000x128xf32, #tpu.memory_space<vmem_shared>> -> memref<64x128xf32, #tpu.memory_space<vmem_shared>>
      tpu.enqueue_dma source(%arg10 : memref<64x128xf32, #tpu.memory_space<vmem>>) target(%dma_start3A_117 : memref<64x128xf32, #tpu.memory_space<vmem_shared>>) target_semaphore(%run_scoped3A : memref<!tpu.dma_semaphore, #tpu.memory_space<semaphore_mem>>)
      %dma_wait3A = arith.constant 0 : i32
      %dma_wait3A_118 = tpu.memref_slice %arg16[%multiple_of3A_44, %dma_wait3A] : memref<10000x128xf32, #tpu.memory_space<vmem_shared>> -> memref<64x128xf32, #tpu.memory_space<vmem_shared>>
      %dma_wait3A_119 = arith.constant 0 : i32
      %dma_wait3A_120 = tpu.memref_slice %arg16[%multiple_of3A_44, %dma_wait3A_119] : memref<10000x128xf32, #tpu.memory_space<vmem_shared>> -> memref<64x128xf32, #tpu.memory_space<vmem_shared>>
      tpu.wait_dma2 semaphore(%run_scoped3A : memref<!tpu.dma_semaphore, #tpu.memory_space<semaphore_mem>>) src(%arg10 : memref<64x128xf32, #tpu.memory_space<vmem>>) dst(%dma_wait3A_120 : memref<64x128xf32, #tpu.memory_space<vmem_shared>>)
      tpu.yield
    }) : () -> ()
    %mul3A_45 = arith.constant 624 : i32
    %mul3A_46 = arith.muli %arg1, %mul3A_45 : i32
    %add3A_47 = arith.constant 576 : i32
    %add3A_48 = arith.addi %mul3A_46, %add3A_47 : i32
    %multiple_of3A_49 = tpu.assume_multiple %add3A_48, 8 : i32
    "tpu.region"() ({
      %run_scoped3A = tpu.sem_alloc : memref<!tpu.dma_semaphore, #tpu.memory_space<semaphore_mem>>
      %dma_start3A = arith.constant 0 : i32
      %dma_start3A_115 = tpu.memref_slice %arg2[%multiple_of3A_49, %dma_start3A] : memref<10000x128xf32, #tpu.memory_space<hbm>> -> memref<64x128xf32, #tpu.memory_space<hbm>>
      %dma_start3A_116 = arith.constant 0 : i32
      %dma_start3A_117 = tpu.memref_slice %arg2[%multiple_of3A_49, %dma_start3A_116] : memref<10000x128xf32, #tpu.memory_space<hbm>> -> memref<64x128xf32, #tpu.memory_space<hbm>>
      tpu.enqueue_dma source(%dma_start3A_117 : memref<64x128xf32, #tpu.memory_space<hbm>>) target(%arg10 : memref<64x128xf32, #tpu.memory_space<vmem>>) target_semaphore(%run_scoped3A : memref<!tpu.dma_semaphore, #tpu.memory_space<semaphore_mem>>)
      %dma_wait3A = arith.constant 0 : i32
      %dma_wait3A_118 = tpu.memref_slice %arg2[%multiple_of3A_49, %dma_wait3A] : memref<10000x128xf32, #tpu.memory_space<hbm>> -> memref<64x128xf32, #tpu.memory_space<hbm>>
      %dma_wait3A_119 = arith.constant 0 : i32
      %dma_wait3A_120 = tpu.memref_slice %arg2[%multiple_of3A_49, %dma_wait3A_119] : memref<10000x128xf32, #tpu.memory_space<hbm>> -> memref<64x128xf32, #tpu.memory_space<hbm>>
      tpu.wait_dma2 semaphore(%run_scoped3A : memref<!tpu.dma_semaphore, #tpu.memory_space<semaphore_mem>>) src(%dma_wait3A_120 : memref<64x128xf32, #tpu.memory_space<hbm>>) dst(%arg10 : memref<64x128xf32, #tpu.memory_space<vmem>>)
      tpu.yield
    }) : () -> ()
    "tpu.region"() ({
      %run_scoped3A = tpu.sem_alloc : memref<!tpu.dma_semaphore, #tpu.memory_space<semaphore_mem>>
      %dma_start3A = arith.constant 0 : i32
      %dma_start3A_115 = tpu.memref_slice %arg16[%multiple_of3A_49, %dma_start3A] : memref<10000x128xf32, #tpu.memory_space<vmem_shared>> -> memref<64x128xf32, #tpu.memory_space<vmem_shared>>
      %dma_start3A_116 = arith.constant 0 : i32
      %dma_start3A_117 = tpu.memref_slice %arg16[%multiple_of3A_49, %dma_start3A_116] : memref<10000x128xf32, #tpu.memory_space<vmem_shared>> -> memref<64x128xf32, #tpu.memory_space<vmem_shared>>
      tpu.enqueue_dma source(%arg10 : memref<64x128xf32, #tpu.memory_space<vmem>>) target(%dma_start3A_117 : memref<64x128xf32, #tpu.memory_space<vmem_shared>>) target_semaphore(%run_scoped3A : memref<!tpu.dma_semaphore, #tpu.memory_space<semaphore_mem>>)
      %dma_wait3A = arith.constant 0 : i32
      %dma_wait3A_118 = tpu.memref_slice %arg16[%multiple_of3A_49, %dma_wait3A] : memref<10000x128xf32, #tpu.memory_space<vmem_shared>> -> memref<64x128xf32, #tpu.memory_space<vmem_shared>>
      %dma_wait3A_119 = arith.constant 0 : i32
      %dma_wait3A_120 = tpu.memref_slice %arg16[%multiple_of3A_49, %dma_wait3A_119] : memref<10000x128xf32, #tpu.memory_space<vmem_shared>> -> memref<64x128xf32, #tpu.memory_space<vmem_shared>>
      tpu.wait_dma2 semaphore(%run_scoped3A : memref<!tpu.dma_semaphore, #tpu.memory_space<semaphore_mem>>) src(%arg10 : memref<64x128xf32, #tpu.memory_space<vmem>>) dst(%dma_wait3A_120 : memref<64x128xf32, #tpu.memory_space<vmem_shared>>)
      tpu.yield
    }) : () -> ()
    %barrier3A = arith.constant 0 : index
    tpu.barrier barrier_id(%barrier3A)
    %add3A_50 = arith.constant 0 : i32
    %add3A_51 = arith.addi %add3A_50, %add3A : i32
    %lt3A = arith.constant 5000 : i32
    %lt3A_52 = arith.cmpi slt, %add3A_51, %lt3A : i32
    %convert_element_type3A = arith.extui %lt3A_52 : i1 to i32
    %cond3A = arith.constant 0 : i32
    %cond3A_53 = arith.cmpi ne, %convert_element_type3A, %cond3A : i32
    scf.if %cond3A_53 {
      %dma_start3A = arith.constant 0 : i32
      %dma_start3A_115 = tpu.memref_slice %arg3[%add3A_51, %dma_start3A] : memref<5000x64xi32, #tpu.memory_space<hbm>> -> memref<1x64xi32, #tpu.memory_space<hbm>>
      %dma_start3A_116 = tpu.memref_squeeze %dma_start3A_115 : memref<1x64xi32, #tpu.memory_space<hbm>> -> memref<64xi32, #tpu.memory_space<hbm>>
      %dma_start3A_117 = arith.constant 0 : i32
      %dma_start3A_118 = tpu.memref_slice %arg3[%add3A_51, %dma_start3A_117] : memref<5000x64xi32, #tpu.memory_space<hbm>> -> memref<1x64xi32, #tpu.memory_space<hbm>>
      %dma_start3A_119 = tpu.memref_squeeze %dma_start3A_118 : memref<1x64xi32, #tpu.memory_space<hbm>> -> memref<64xi32, #tpu.memory_space<hbm>>
      tpu.enqueue_dma source(%dma_start3A_119 : memref<64xi32, #tpu.memory_space<hbm>>) target(%arg6 : memref<64xi32, #tpu.memory_space<vmem>>) target_semaphore(%arg17 : memref<!tpu.dma_semaphore, #tpu.memory_space<semaphore_mem>>)
      %dma_start3A_120 = arith.constant 0 : i32
      %dma_start3A_121 = tpu.memref_slice %arg4[%add3A_51, %dma_start3A_120] : memref<5000x64xi32, #tpu.memory_space<hbm>> -> memref<1x64xi32, #tpu.memory_space<hbm>>
      %dma_start3A_122 = tpu.memref_squeeze %dma_start3A_121 : memref<1x64xi32, #tpu.memory_space<hbm>> -> memref<64xi32, #tpu.memory_space<hbm>>
      %dma_start3A_123 = arith.constant 0 : i32
      %dma_start3A_124 = tpu.memref_slice %arg4[%add3A_51, %dma_start3A_123] : memref<5000x64xi32, #tpu.memory_space<hbm>> -> memref<1x64xi32, #tpu.memory_space<hbm>>
      %dma_start3A_125 = tpu.memref_squeeze %dma_start3A_124 : memref<1x64xi32, #tpu.memory_space<hbm>> -> memref<64xi32, #tpu.memory_space<hbm>>
      tpu.enqueue_dma source(%dma_start3A_125 : memref<64xi32, #tpu.memory_space<hbm>>) target(%arg8 : memref<64xi32, #tpu.memory_space<vmem>>) target_semaphore(%arg17 : memref<!tpu.dma_semaphore, #tpu.memory_space<semaphore_mem>>)
    } else {
    }
    %add3A_54 = arith.constant 32 : i32
    %add3A_55 = arith.addi %add3A_54, %add3A : i32
    %lt3A_56 = arith.constant 5000 : i32
    %lt3A_57 = arith.cmpi slt, %add3A_55, %lt3A_56 : i32
    %convert_element_type3A_58 = arith.extui %lt3A_57 : i1 to i32
    %cond3A_59 = arith.constant 0 : i32
    %cond3A_60 = arith.cmpi ne, %convert_element_type3A_58, %cond3A_59 : i32
    scf.if %cond3A_60 {
      %dma_start3A = arith.constant 0 : i32
      %dma_start3A_115 = tpu.memref_slice %arg3[%add3A_55, %dma_start3A] : memref<5000x64xi32, #tpu.memory_space<hbm>> -> memref<1x64xi32, #tpu.memory_space<hbm>>
      %dma_start3A_116 = tpu.memref_squeeze %dma_start3A_115 : memref<1x64xi32, #tpu.memory_space<hbm>> -> memref<64xi32, #tpu.memory_space<hbm>>
      %dma_start3A_117 = arith.constant 0 : i32
      %dma_start3A_118 = tpu.memref_slice %arg3[%add3A_55, %dma_start3A_117] : memref<5000x64xi32, #tpu.memory_space<hbm>> -> memref<1x64xi32, #tpu.memory_space<hbm>>
      %dma_start3A_119 = tpu.memref_squeeze %dma_start3A_118 : memref<1x64xi32, #tpu.memory_space<hbm>> -> memref<64xi32, #tpu.memory_space<hbm>>
      tpu.enqueue_dma source(%dma_start3A_119 : memref<64xi32, #tpu.memory_space<hbm>>) target(%arg7 : memref<64xi32, #tpu.memory_space<vmem>>) target_semaphore(%arg18 : memref<!tpu.dma_semaphore, #tpu.memory_space<semaphore_mem>>)
      %dma_start3A_120 = arith.constant 0 : i32
      %dma_start3A_121 = tpu.memref_slice %arg4[%add3A_55, %dma_start3A_120] : memref<5000x64xi32, #tpu.memory_space<hbm>> -> memref<1x64xi32, #tpu.memory_space<hbm>>
      %dma_start3A_122 = tpu.memref_squeeze %dma_start3A_121 : memref<1x64xi32, #tpu.memory_space<hbm>> -> memref<64xi32, #tpu.memory_space<hbm>>
      %dma_start3A_123 = arith.constant 0 : i32
      %dma_start3A_124 = tpu.memref_slice %arg4[%add3A_55, %dma_start3A_123] : memref<5000x64xi32, #tpu.memory_space<hbm>> -> memref<1x64xi32, #tpu.memory_space<hbm>>
      %dma_start3A_125 = tpu.memref_squeeze %dma_start3A_124 : memref<1x64xi32, #tpu.memory_space<hbm>> -> memref<64xi32, #tpu.memory_space<hbm>>
      tpu.enqueue_dma source(%dma_start3A_125 : memref<64xi32, #tpu.memory_space<hbm>>) target(%arg9 : memref<64xi32, #tpu.memory_space<vmem>>) target_semaphore(%arg18 : memref<!tpu.dma_semaphore, #tpu.memory_space<semaphore_mem>>)
    } else {
    }
    %add3A_61 = arith.constant 0 : i32
    %add3A_62 = arith.addi %add3A_61, %add3A : i32
    %lt3A_63 = arith.constant 5000 : i32
    %lt3A_64 = arith.cmpi slt, %add3A_62, %lt3A_63 : i32
    %convert_element_type3A_65 = arith.extui %lt3A_64 : i1 to i32
    %cond3A_66 = arith.constant 0 : i32
    %cond3A_67 = arith.cmpi ne, %convert_element_type3A_65, %cond3A_66 : i32
    scf.if %cond3A_67 {
      %dma_wait3A = arith.constant 0 : i32
      %dma_wait3A_115 = tpu.memref_slice %arg3[%add3A_62, %dma_wait3A] : memref<5000x64xi32, #tpu.memory_space<hbm>> -> memref<1x64xi32, #tpu.memory_space<hbm>>
      %dma_wait3A_116 = tpu.memref_squeeze %dma_wait3A_115 : memref<1x64xi32, #tpu.memory_space<hbm>> -> memref<64xi32, #tpu.memory_space<hbm>>
      %dma_wait3A_117 = arith.constant 0 : i32
      %dma_wait3A_118 = tpu.memref_slice %arg3[%add3A_62, %dma_wait3A_117] : memref<5000x64xi32, #tpu.memory_space<hbm>> -> memref<1x64xi32, #tpu.memory_space<hbm>>
      %dma_wait3A_119 = tpu.memref_squeeze %dma_wait3A_118 : memref<1x64xi32, #tpu.memory_space<hbm>> -> memref<64xi32, #tpu.memory_space<hbm>>
      tpu.wait_dma2 semaphore(%arg17 : memref<!tpu.dma_semaphore, #tpu.memory_space<semaphore_mem>>) src(%dma_wait3A_119 : memref<64xi32, #tpu.memory_space<hbm>>) dst(%arg6 : memref<64xi32, #tpu.memory_space<vmem>>)
      %dma_wait3A_120 = arith.constant 0 : i32
      %dma_wait3A_121 = tpu.memref_slice %arg4[%add3A_62, %dma_wait3A_120] : memref<5000x64xi32, #tpu.memory_space<hbm>> -> memref<1x64xi32, #tpu.memory_space<hbm>>
      %dma_wait3A_122 = tpu.memref_squeeze %dma_wait3A_121 : memref<1x64xi32, #tpu.memory_space<hbm>> -> memref<64xi32, #tpu.memory_space<hbm>>
      %dma_wait3A_123 = arith.constant 0 : i32
      %dma_wait3A_124 = tpu.memref_slice %arg4[%add3A_62, %dma_wait3A_123] : memref<5000x64xi32, #tpu.memory_space<hbm>> -> memref<1x64xi32, #tpu.memory_space<hbm>>
      %dma_wait3A_125 = tpu.memref_squeeze %dma_wait3A_124 : memref<1x64xi32, #tpu.memory_space<hbm>> -> memref<64xi32, #tpu.memory_space<hbm>>
      tpu.wait_dma2 semaphore(%arg17 : memref<!tpu.dma_semaphore, #tpu.memory_space<semaphore_mem>>) src(%dma_wait3A_125 : memref<64xi32, #tpu.memory_space<hbm>>) dst(%arg8 : memref<64xi32, #tpu.memory_space<vmem>>)
    } else {
    }
    %add3A_68 = arith.constant 0 : i32
    %add3A_69 = arith.addi %add3A_68, %add3A : i32
    %lt3A_70 = arith.constant 5000 : i32
    %lt3A_71 = arith.cmpi slt, %add3A_69, %lt3A_70 : i32
    %convert_element_type3A_72 = arith.extui %lt3A_71 : i1 to i32
    %cond3A_73 = arith.constant 0 : i32
    %cond3A_74 = arith.cmpi ne, %convert_element_type3A_72, %cond3A_73 : i32
    scf.if %cond3A_74 {
      %dma_start3A = arith.constant 0 : i32
      %dma_start3A_115 = arith.constant 0 : i32
      %dma_start3A_116 = tpu.memref_slice %arg16[%dma_start3A, %dma_start3A_115] : memref<10000x128xf32, #tpu.memory_space<vmem_shared>> -> memref<10000x128xf32, #tpu.memory_space<vmem_shared>>
      tpu.enqueue_indirect_dma source(%dma_start3A_116 : memref<10000x128xf32, #tpu.memory_space<vmem_shared>>) target(%arg10 : memref<64x128xf32, #tpu.memory_space<vmem>>) offsets(%arg6 : memref<64xi32, #tpu.memory_space<vmem>>) semaphore(%arg19 : memref<!tpu.dma_semaphore, #tpu.memory_space<semaphore_mem>>)
      %dma_start3A_117 = arith.constant 0 : i32
      %dma_start3A_118 = arith.constant 0 : i32
      %dma_start3A_119 = tpu.memref_slice %arg16[%dma_start3A_117, %dma_start3A_118] : memref<10000x128xf32, #tpu.memory_space<vmem_shared>> -> memref<10000x128xf32, #tpu.memory_space<vmem_shared>>
      tpu.enqueue_indirect_dma source(%dma_start3A_119 : memref<10000x128xf32, #tpu.memory_space<vmem_shared>>) target(%arg12 : memref<64x128xf32, #tpu.memory_space<vmem>>) offsets(%arg8 : memref<64xi32, #tpu.memory_space<vmem>>) semaphore(%arg21 : memref<!tpu.dma_semaphore, #tpu.memory_space<semaphore_mem>>)
    } else {
    }
    %scan3A = arith.constant 0 : i32
    %scan3A_75 = arith.constant 0 : i32
    %scan3A_76 = arith.constant 78 : i32
    %scan3A_77 = arith.addi %scan3A_75, %scan3A_76 : i32
    %scan3A_78 = arith.constant 1 : i32
    scf.for %scan3A_115 = %scan3A_75 to %scan3A_77 step %scan3A_78  : i32 {
      %mul3A_116 = arith.constant 2 : i32
      %mul3A_117 = arith.muli %mul3A_116, %scan3A_115 : i32
      %add3A_118 = arith.constant 0 : i32
      %add3A_119 = arith.addi %mul3A_117, %add3A_118 : i32
      %mul3A_120 = arith.constant 32 : i32
      %mul3A_121 = arith.muli %mul3A_120, %add3A_119 : i32
      %add3A_122 = arith.addi %mul3A_121, %add3A : i32
      %add3A_123 = arith.constant 1 : i32
      %add3A_124 = arith.addi %add3A_119, %add3A_123 : i32
      %lt3A_125 = arith.constant 157 : i32
      %lt3A_126 = arith.cmpi slt, %add3A_124, %lt3A_125 : i32
      %convert_element_type3A_127 = arith.extui %lt3A_126 : i1 to i32
      %cond3A_128 = arith.constant 0 : i32
      %cond3A_129 = arith.cmpi ne, %convert_element_type3A_127, %cond3A_128 : i32
      scf.if %cond3A_129 {
        %add3A_207 = arith.constant 1 : i32
        %add3A_208 = arith.addi %add3A_119, %add3A_207 : i32
        %mul3A_209 = arith.constant 32 : i32
        %mul3A_210 = arith.muli %mul3A_209, %add3A_208 : i32
        %add3A_211 = arith.addi %mul3A_210, %add3A : i32
        %lt3A_212 = arith.constant 5000 : i32
        %lt3A_213 = arith.cmpi slt, %add3A_211, %lt3A_212 : i32
        %convert_element_type3A_214 = arith.extui %lt3A_213 : i1 to i32
        %cond3A_215 = arith.constant 0 : i32
        %cond3A_216 = arith.cmpi ne, %convert_element_type3A_214, %cond3A_215 : i32
        scf.if %cond3A_216 {
          %dma_wait3A = arith.constant 0 : i32
          %dma_wait3A_227 = tpu.memref_slice %arg3[%add3A_211, %dma_wait3A] : memref<5000x64xi32, #tpu.memory_space<hbm>> -> memref<1x64xi32, #tpu.memory_space<hbm>>
          %dma_wait3A_228 = tpu.memref_squeeze %dma_wait3A_227 : memref<1x64xi32, #tpu.memory_space<hbm>> -> memref<64xi32, #tpu.memory_space<hbm>>
          %dma_wait3A_229 = arith.constant 0 : i32
          %dma_wait3A_230 = tpu.memref_slice %arg3[%add3A_211, %dma_wait3A_229] : memref<5000x64xi32, #tpu.memory_space<hbm>> -> memref<1x64xi32, #tpu.memory_space<hbm>>
          %dma_wait3A_231 = tpu.memref_squeeze %dma_wait3A_230 : memref<1x64xi32, #tpu.memory_space<hbm>> -> memref<64xi32, #tpu.memory_space<hbm>>
          tpu.wait_dma2 semaphore(%arg18 : memref<!tpu.dma_semaphore, #tpu.memory_space<semaphore_mem>>) src(%dma_wait3A_231 : memref<64xi32, #tpu.memory_space<hbm>>) dst(%arg7 : memref<64xi32, #tpu.memory_space<vmem>>)
          %dma_wait3A_232 = arith.constant 0 : i32
          %dma_wait3A_233 = tpu.memref_slice %arg4[%add3A_211, %dma_wait3A_232] : memref<5000x64xi32, #tpu.memory_space<hbm>> -> memref<1x64xi32, #tpu.memory_space<hbm>>
          %dma_wait3A_234 = tpu.memref_squeeze %dma_wait3A_233 : memref<1x64xi32, #tpu.memory_space<hbm>> -> memref<64xi32, #tpu.memory_space<hbm>>
          %dma_wait3A_235 = arith.constant 0 : i32
          %dma_wait3A_236 = tpu.memref_slice %arg4[%add3A_211, %dma_wait3A_235] : memref<5000x64xi32, #tpu.memory_space<hbm>> -> memref<1x64xi32, #tpu.memory_space<hbm>>
          %dma_wait3A_237 = tpu.memref_squeeze %dma_wait3A_236 : memref<1x64xi32, #tpu.memory_space<hbm>> -> memref<64xi32, #tpu.memory_space<hbm>>
          tpu.wait_dma2 semaphore(%arg18 : memref<!tpu.dma_semaphore, #tpu.memory_space<semaphore_mem>>) src(%dma_wait3A_237 : memref<64xi32, #tpu.memory_space<hbm>>) dst(%arg9 : memref<64xi32, #tpu.memory_space<vmem>>)
        } else {
        }
        %add3A_217 = arith.constant 1 : i32
        %add3A_218 = arith.addi %add3A_119, %add3A_217 : i32
        %mul3A_219 = arith.constant 32 : i32
        %mul3A_220 = arith.muli %mul3A_219, %add3A_218 : i32
        %add3A_221 = arith.addi %mul3A_220, %add3A : i32
        %lt3A_222 = arith.constant 5000 : i32
        %lt3A_223 = arith.cmpi slt, %add3A_221, %lt3A_222 : i32
        %convert_element_type3A_224 = arith.extui %lt3A_223 : i1 to i32
        %cond3A_225 = arith.constant 0 : i32
        %cond3A_226 = arith.cmpi ne, %convert_element_type3A_224, %cond3A_225 : i32
        scf.if %cond3A_226 {
          %dma_start3A = arith.constant 0 : i32
          %dma_start3A_227 = arith.constant 0 : i32
          %dma_start3A_228 = tpu.memref_slice %arg16[%dma_start3A, %dma_start3A_227] : memref<10000x128xf32, #tpu.memory_space<vmem_shared>> -> memref<10000x128xf32, #tpu.memory_space<vmem_shared>>
          tpu.enqueue_indirect_dma source(%dma_start3A_228 : memref<10000x128xf32, #tpu.memory_space<vmem_shared>>) target(%arg11 : memref<64x128xf32, #tpu.memory_space<vmem>>) offsets(%arg7 : memref<64xi32, #tpu.memory_space<vmem>>) semaphore(%arg20 : memref<!tpu.dma_semaphore, #tpu.memory_space<semaphore_mem>>)
          %dma_start3A_229 = arith.constant 0 : i32
          %dma_start3A_230 = arith.constant 0 : i32
          %dma_start3A_231 = tpu.memref_slice %arg16[%dma_start3A_229, %dma_start3A_230] : memref<10000x128xf32, #tpu.memory_space<vmem_shared>> -> memref<10000x128xf32, #tpu.memory_space<vmem_shared>>
          tpu.enqueue_indirect_dma source(%dma_start3A_231 : memref<10000x128xf32, #tpu.memory_space<vmem_shared>>) target(%arg13 : memref<64x128xf32, #tpu.memory_space<vmem>>) offsets(%arg9 : memref<64xi32, #tpu.memory_space<vmem>>) semaphore(%arg22 : memref<!tpu.dma_semaphore, #tpu.memory_space<semaphore_mem>>)
        } else {
        }
      } else {
      }
      %mul3A_130 = arith.constant 32 : i32
      %mul3A_131 = arith.muli %mul3A_130, %add3A_119 : i32
      %add3A_132 = arith.addi %mul3A_131, %add3A : i32
      %lt3A_133 = arith.constant 5000 : i32
      %lt3A_134 = arith.cmpi slt, %add3A_132, %lt3A_133 : i32
      %convert_element_type3A_135 = arith.extui %lt3A_134 : i1 to i32
      %cond3A_136 = arith.constant 0 : i32
      %cond3A_137 = arith.cmpi ne, %convert_element_type3A_135, %cond3A_136 : i32
      scf.if %cond3A_137 {
        %dma_wait3A = arith.constant 0 : i32
        %dma_wait3A_207 = arith.constant 0 : i32
        %dma_wait3A_208 = tpu.memref_slice %arg16[%dma_wait3A, %dma_wait3A_207] : memref<10000x128xf32, #tpu.memory_space<vmem_shared>> -> memref<10000x128xf32, #tpu.memory_space<vmem_shared>>
        tpu.wait_indirect_dma semaphore(%arg19 : memref<!tpu.dma_semaphore, #tpu.memory_space<semaphore_mem>>) src(%dma_wait3A_208 : memref<10000x128xf32, #tpu.memory_space<vmem_shared>>) dst(%arg10 : memref<64x128xf32, #tpu.memory_space<vmem>>)
        %dma_wait3A_209 = arith.constant 0 : i32
        %dma_wait3A_210 = arith.constant 0 : i32
        %dma_wait3A_211 = tpu.memref_slice %arg16[%dma_wait3A_209, %dma_wait3A_210] : memref<10000x128xf32, #tpu.memory_space<vmem_shared>> -> memref<10000x128xf32, #tpu.memory_space<vmem_shared>>
        tpu.wait_indirect_dma semaphore(%arg21 : memref<!tpu.dma_semaphore, #tpu.memory_space<semaphore_mem>>) src(%dma_wait3A_211 : memref<10000x128xf32, #tpu.memory_space<vmem_shared>>) dst(%arg12 : memref<64x128xf32, #tpu.memory_space<vmem>>)
      } else {
      }
      %add3A_138 = arith.constant 2 : i32
      %add3A_139 = arith.addi %add3A_119, %add3A_138 : i32
      %lt3A_140 = arith.constant 157 : i32
      %lt3A_141 = arith.cmpi slt, %add3A_139, %lt3A_140 : i32
      %convert_element_type3A_142 = arith.extui %lt3A_141 : i1 to i32
      %cond3A_143 = arith.constant 0 : i32
      %cond3A_144 = arith.cmpi ne, %convert_element_type3A_142, %cond3A_143 : i32
      scf.if %cond3A_144 {
        %add3A_207 = arith.constant 2 : i32
        %add3A_208 = arith.addi %add3A_119, %add3A_207 : i32
        %mul3A_209 = arith.constant 32 : i32
        %mul3A_210 = arith.muli %mul3A_209, %add3A_208 : i32
        %add3A_211 = arith.addi %mul3A_210, %add3A : i32
        %lt3A_212 = arith.constant 5000 : i32
        %lt3A_213 = arith.cmpi slt, %add3A_211, %lt3A_212 : i32
        %convert_element_type3A_214 = arith.extui %lt3A_213 : i1 to i32
        %cond3A_215 = arith.constant 0 : i32
        %cond3A_216 = arith.cmpi ne, %convert_element_type3A_214, %cond3A_215 : i32
        scf.if %cond3A_216 {
          %dma_start3A = arith.constant 0 : i32
          %dma_start3A_217 = tpu.memref_slice %arg3[%add3A_211, %dma_start3A] : memref<5000x64xi32, #tpu.memory_space<hbm>> -> memref<1x64xi32, #tpu.memory_space<hbm>>
          %dma_start3A_218 = tpu.memref_squeeze %dma_start3A_217 : memref<1x64xi32, #tpu.memory_space<hbm>> -> memref<64xi32, #tpu.memory_space<hbm>>
          %dma_start3A_219 = arith.constant 0 : i32
          %dma_start3A_220 = tpu.memref_slice %arg3[%add3A_211, %dma_start3A_219] : memref<5000x64xi32, #tpu.memory_space<hbm>> -> memref<1x64xi32, #tpu.memory_space<hbm>>
          %dma_start3A_221 = tpu.memref_squeeze %dma_start3A_220 : memref<1x64xi32, #tpu.memory_space<hbm>> -> memref<64xi32, #tpu.memory_space<hbm>>
          tpu.enqueue_dma source(%dma_start3A_221 : memref<64xi32, #tpu.memory_space<hbm>>) target(%arg6 : memref<64xi32, #tpu.memory_space<vmem>>) target_semaphore(%arg17 : memref<!tpu.dma_semaphore, #tpu.memory_space<semaphore_mem>>)
          %dma_start3A_222 = arith.constant 0 : i32
          %dma_start3A_223 = tpu.memref_slice %arg4[%add3A_211, %dma_start3A_222] : memref<5000x64xi32, #tpu.memory_space<hbm>> -> memref<1x64xi32, #tpu.memory_space<hbm>>
          %dma_start3A_224 = tpu.memref_squeeze %dma_start3A_223 : memref<1x64xi32, #tpu.memory_space<hbm>> -> memref<64xi32, #tpu.memory_space<hbm>>
          %dma_start3A_225 = arith.constant 0 : i32
          %dma_start3A_226 = tpu.memref_slice %arg4[%add3A_211, %dma_start3A_225] : memref<5000x64xi32, #tpu.memory_space<hbm>> -> memref<1x64xi32, #tpu.memory_space<hbm>>
          %dma_start3A_227 = tpu.memref_squeeze %dma_start3A_226 : memref<1x64xi32, #tpu.memory_space<hbm>> -> memref<64xi32, #tpu.memory_space<hbm>>
          tpu.enqueue_dma source(%dma_start3A_227 : memref<64xi32, #tpu.memory_space<hbm>>) target(%arg8 : memref<64xi32, #tpu.memory_space<vmem>>) target_semaphore(%arg17 : memref<!tpu.dma_semaphore, #tpu.memory_space<semaphore_mem>>)
        } else {
        }
      } else {
      }
      %ge3A = arith.constant 2 : i32
      %ge3A_145 = arith.cmpi sge, %add3A_119, %ge3A : i32
      %sub3A = arith.constant 2 : i32
      %sub3A_146 = arith.subi %add3A_119, %sub3A : i32
      %mul3A_147 = arith.constant 32 : i32
      %mul3A_148 = arith.muli %mul3A_147, %sub3A_146 : i32
      %add3A_149 = arith.addi %mul3A_148, %add3A : i32
      %lt3A_150 = arith.constant 5000 : i32
      %lt3A_151 = arith.cmpi slt, %add3A_149, %lt3A_150 : i32
      %and3A = arith.andi %ge3A_145, %lt3A_151 : i1
      %convert_element_type3A_152 = arith.extui %and3A : i1 to i32
      %cond3A_153 = arith.constant 0 : i32
      %cond3A_154 = arith.cmpi ne, %convert_element_type3A_152, %cond3A_153 : i32
      scf.if %cond3A_154 {
        %dma_wait3A = arith.constant 0 : i32
        %dma_wait3A_207 = arith.constant 0 : i32
        %dma_wait3A_208 = tpu.memref_slice %arg5[%dma_wait3A, %dma_wait3A_207] : memref<320000x128xf32, #tpu.memory_space<hbm>> -> memref<64x128xf32, #tpu.memory_space<hbm>>
        %dma_wait3A_209 = arith.constant 0 : i32
        %dma_wait3A_210 = arith.constant 0 : i32
        %dma_wait3A_211 = tpu.memref_slice %arg5[%dma_wait3A_209, %dma_wait3A_210] : memref<320000x128xf32, #tpu.memory_space<hbm>> -> memref<64x128xf32, #tpu.memory_space<hbm>>
        tpu.wait_dma2 semaphore(%arg23 : memref<!tpu.dma_semaphore, #tpu.memory_space<semaphore_mem>>) src(%arg14 : memref<64x128xf32, #tpu.memory_space<vmem>>) dst(%dma_wait3A_211 : memref<64x128xf32, #tpu.memory_space<hbm>>)
      } else {
      }
      %lt3A_155 = arith.constant 5000 : i32
      %lt3A_156 = arith.cmpi slt, %add3A_122, %lt3A_155 : i32
      %convert_element_type3A_157 = arith.extui %lt3A_156 : i1 to i32
      %cond3A_158 = arith.constant 0 : i32
      %cond3A_159 = arith.cmpi ne, %convert_element_type3A_157, %cond3A_158 : i32
      scf.if %cond3A_159 {
        %scan3A_207 = arith.constant 0 : i32
        %scan3A_208 = arith.constant 0 : i32
        %scan3A_209 = arith.constant 64 : i32
        %scan3A_210 = arith.addi %scan3A_208, %scan3A_209 : i32
        %scan3A_211 = arith.constant 1 : i32
        scf.for %scan3A_218 = %scan3A_208 to %scan3A_210 step %scan3A_211  : i32 {
          %get3A = arith.index_cast %scan3A_218 : i32 to index
          %get3A_219 = arith.constant 0 : index
          %get3A_220 = tpu.vector_load %arg10[%get3A, %get3A_219] {strides = array<i32>} : memref<64x128xf32, #tpu.memory_space<vmem>>, vector<1x16xf32>,
          %get3A_221 = vector.shape_cast %get3A_220 : vector<1x16xf32> to vector<16xf32>
          %get3A_222 = arith.index_cast %scan3A_218 : i32 to index
          %get3A_223 = arith.constant 0 : index
          %get3A_224 = tpu.vector_load %arg12[%get3A_222, %get3A_223] {strides = array<i32>} : memref<64x128xf32, #tpu.memory_space<vmem>>, vector<1x16xf32>,
          %get3A_225 = vector.shape_cast %get3A_224 : vector<1x16xf32> to vector<16xf32>
          %min3A = arith.minimumf %get3A_221, %get3A_225 : vector<16xf32>
          %swap3A = arith.index_cast %scan3A_218 : i32 to index
          %swap3A_226 = arith.constant 0 : index
          %swap3A_227 = tpu.vector_load %arg14[%swap3A, %swap3A_226] {strides = array<i32>} : memref<64x128xf32, #tpu.memory_space<vmem>>, vector<1x16xf32>,
          %swap3A_228 = vector.shape_cast %swap3A_227 : vector<1x16xf32> to vector<16xf32>
          %swap3A_229 = vector.shape_cast %min3A : vector<16xf32> to vector<1x16xf32>
          tpu.vector_store %arg14[%swap3A, %swap3A_226], %swap3A_229 {strides = array<i32>} : memref<64x128xf32, #tpu.memory_space<vmem>>, vector<1x16xf32>,
          %get3A_230 = arith.index_cast %scan3A_218 : i32 to index
          %get3A_231 = arith.constant 16 : index
          %get3A_232 = tpu.vector_load %arg10[%get3A_230, %get3A_231] {strides = array<i32>} : memref<64x128xf32, #tpu.memory_space<vmem>>, vector<1x16xf32>,
          %get3A_233 = vector.shape_cast %get3A_232 : vector<1x16xf32> to vector<16xf32>
          %get3A_234 = arith.index_cast %scan3A_218 : i32 to index
          %get3A_235 = arith.constant 16 : index
          %get3A_236 = tpu.vector_load %arg12[%get3A_234, %get3A_235] {strides = array<i32>} : memref<64x128xf32, #tpu.memory_space<vmem>>, vector<1x16xf32>,
          %get3A_237 = vector.shape_cast %get3A_236 : vector<1x16xf32> to vector<16xf32>
          %min3A_238 = arith.minimumf %get3A_233, %get3A_237 : vector<16xf32>
          %swap3A_239 = arith.index_cast %scan3A_218 : i32 to index
          %swap3A_240 = arith.constant 16 : index
          %swap3A_241 = tpu.vector_load %arg14[%swap3A_239, %swap3A_240] {strides = array<i32>} : memref<64x128xf32, #tpu.memory_space<vmem>>, vector<1x16xf32>,
          %swap3A_242 = vector.shape_cast %swap3A_241 : vector<1x16xf32> to vector<16xf32>
          %swap3A_243 = vector.shape_cast %min3A_238 : vector<16xf32> to vector<1x16xf32>
          tpu.vector_store %arg14[%swap3A_239, %swap3A_240], %swap3A_243 {strides = array<i32>} : memref<64x128xf32, #tpu.memory_space<vmem>>, vector<1x16xf32>,
          %get3A_244 = arith.index_cast %scan3A_218 : i32 to index
          %get3A_245 = arith.constant 32 : index
          %get3A_246 = tpu.vector_load %arg10[%get3A_244, %get3A_245] {strides = array<i32>} : memref<64x128xf32, #tpu.memory_space<vmem>>, vector<1x16xf32>,
          %get3A_247 = vector.shape_cast %get3A_246 : vector<1x16xf32> to vector<16xf32>
          %get3A_248 = arith.index_cast %scan3A_218 : i32 to index
          %get3A_249 = arith.constant 32 : index
          %get3A_250 = tpu.vector_load %arg12[%get3A_248, %get3A_249] {strides = array<i32>} : memref<64x128xf32, #tpu.memory_space<vmem>>, vector<1x16xf32>,
          %get3A_251 = vector.shape_cast %get3A_250 : vector<1x16xf32> to vector<16xf32>
          %min3A_252 = arith.minimumf %get3A_247, %get3A_251 : vector<16xf32>
          %swap3A_253 = arith.index_cast %scan3A_218 : i32 to index
          %swap3A_254 = arith.constant 32 : index
          %swap3A_255 = tpu.vector_load %arg14[%swap3A_253, %swap3A_254] {strides = array<i32>} : memref<64x128xf32, #tpu.memory_space<vmem>>, vector<1x16xf32>,
          %swap3A_256 = vector.shape_cast %swap3A_255 : vector<1x16xf32> to vector<16xf32>
          %swap3A_257 = vector.shape_cast %min3A_252 : vector<16xf32> to vector<1x16xf32>
          tpu.vector_store %arg14[%swap3A_253, %swap3A_254], %swap3A_257 {strides = array<i32>} : memref<64x128xf32, #tpu.memory_space<vmem>>, vector<1x16xf32>,
          %get3A_258 = arith.index_cast %scan3A_218 : i32 to index
          %get3A_259 = arith.constant 48 : index
          %get3A_260 = tpu.vector_load %arg10[%get3A_258, %get3A_259] {strides = array<i32>} : memref<64x128xf32, #tpu.memory_space<vmem>>, vector<1x16xf32>,
          %get3A_261 = vector.shape_cast %get3A_260 : vector<1x16xf32> to vector<16xf32>
          %get3A_262 = arith.index_cast %scan3A_218 : i32 to index
          %get3A_263 = arith.constant 48 : index
          %get3A_264 = tpu.vector_load %arg12[%get3A_262, %get3A_263] {strides = array<i32>} : memref<64x128xf32, #tpu.memory_space<vmem>>, vector<1x16xf32>,
          %get3A_265 = vector.shape_cast %get3A_264 : vector<1x16xf32> to vector<16xf32>
          %min3A_266 = arith.minimumf %get3A_261, %get3A_265 : vector<16xf32>
          %swap3A_267 = arith.index_cast %scan3A_218 : i32 to index
          %swap3A_268 = arith.constant 48 : index
          %swap3A_269 = tpu.vector_load %arg14[%swap3A_267, %swap3A_268] {strides = array<i32>} : memref<64x128xf32, #tpu.memory_space<vmem>>, vector<1x16xf32>,
          %swap3A_270 = vector.shape_cast %swap3A_269 : vector<1x16xf32> to vector<16xf32>
          %swap3A_271 = vector.shape_cast %min3A_266 : vector<16xf32> to vector<1x16xf32>
          tpu.vector_store %arg14[%swap3A_267, %swap3A_268], %swap3A_271 {strides = array<i32>} : memref<64x128xf32, #tpu.memory_space<vmem>>, vector<1x16xf32>,
          %get3A_272 = arith.index_cast %scan3A_218 : i32 to index
          %get3A_273 = arith.constant 64 : index
          %get3A_274 = tpu.vector_load %arg10[%get3A_272, %get3A_273] {strides = array<i32>} : memref<64x128xf32, #tpu.memory_space<vmem>>, vector<1x16xf32>,
          %get3A_275 = vector.shape_cast %get3A_274 : vector<1x16xf32> to vector<16xf32>
          %get3A_276 = arith.index_cast %scan3A_218 : i32 to index
          %get3A_277 = arith.constant 64 : index
          %get3A_278 = tpu.vector_load %arg12[%get3A_276, %get3A_277] {strides = array<i32>} : memref<64x128xf32, #tpu.memory_space<vmem>>, vector<1x16xf32>,
          %get3A_279 = vector.shape_cast %get3A_278 : vector<1x16xf32> to vector<16xf32>
          %min3A_280 = arith.minimumf %get3A_275, %get3A_279 : vector<16xf32>
          %swap3A_281 = arith.index_cast %scan3A_218 : i32 to index
          %swap3A_282 = arith.constant 64 : index
          %swap3A_283 = tpu.vector_load %arg14[%swap3A_281, %swap3A_282] {strides = array<i32>} : memref<64x128xf32, #tpu.memory_space<vmem>>, vector<1x16xf32>,
          %swap3A_284 = vector.shape_cast %swap3A_283 : vector<1x16xf32> to vector<16xf32>
          %swap3A_285 = vector.shape_cast %min3A_280 : vector<16xf32> to vector<1x16xf32>
          tpu.vector_store %arg14[%swap3A_281, %swap3A_282], %swap3A_285 {strides = array<i32>} : memref<64x128xf32, #tpu.memory_space<vmem>>, vector<1x16xf32>,
          %get3A_286 = arith.index_cast %scan3A_218 : i32 to index
          %get3A_287 = arith.constant 80 : index
          %get3A_288 = tpu.vector_load %arg10[%get3A_286, %get3A_287] {strides = array<i32>} : memref<64x128xf32, #tpu.memory_space<vmem>>, vector<1x16xf32>,
          %get3A_289 = vector.shape_cast %get3A_288 : vector<1x16xf32> to vector<16xf32>
          %get3A_290 = arith.index_cast %scan3A_218 : i32 to index
          %get3A_291 = arith.constant 80 : index
          %get3A_292 = tpu.vector_load %arg12[%get3A_290, %get3A_291] {strides = array<i32>} : memref<64x128xf32, #tpu.memory_space<vmem>>, vector<1x16xf32>,
          %get3A_293 = vector.shape_cast %get3A_292 : vector<1x16xf32> to vector<16xf32>
          %min3A_294 = arith.minimumf %get3A_289, %get3A_293 : vector<16xf32>
          %swap3A_295 = arith.index_cast %scan3A_218 : i32 to index
          %swap3A_296 = arith.constant 80 : index
          %swap3A_297 = tpu.vector_load %arg14[%swap3A_295, %swap3A_296] {strides = array<i32>} : memref<64x128xf32, #tpu.memory_space<vmem>>, vector<1x16xf32>,
          %swap3A_298 = vector.shape_cast %swap3A_297 : vector<1x16xf32> to vector<16xf32>
          %swap3A_299 = vector.shape_cast %min3A_294 : vector<16xf32> to vector<1x16xf32>
          tpu.vector_store %arg14[%swap3A_295, %swap3A_296], %swap3A_299 {strides = array<i32>} : memref<64x128xf32, #tpu.memory_space<vmem>>, vector<1x16xf32>,
          %get3A_300 = arith.index_cast %scan3A_218 : i32 to index
          %get3A_301 = arith.constant 96 : index
          %get3A_302 = tpu.vector_load %arg10[%get3A_300, %get3A_301] {strides = array<i32>} : memref<64x128xf32, #tpu.memory_space<vmem>>, vector<1x16xf32>,
          %get3A_303 = vector.shape_cast %get3A_302 : vector<1x16xf32> to vector<16xf32>
          %get3A_304 = arith.index_cast %scan3A_218 : i32 to index
          %get3A_305 = arith.constant 96 : index
          %get3A_306 = tpu.vector_load %arg12[%get3A_304, %get3A_305] {strides = array<i32>} : memref<64x128xf32, #tpu.memory_space<vmem>>, vector<1x16xf32>,
          %get3A_307 = vector.shape_cast %get3A_306 : vector<1x16xf32> to vector<16xf32>
          %min3A_308 = arith.minimumf %get3A_303, %get3A_307 : vector<16xf32>
          %swap3A_309 = arith.index_cast %scan3A_218 : i32 to index
          %swap3A_310 = arith.constant 96 : index
          %swap3A_311 = tpu.vector_load %arg14[%swap3A_309, %swap3A_310] {strides = array<i32>} : memref<64x128xf32, #tpu.memory_space<vmem>>, vector<1x16xf32>,
          %swap3A_312 = vector.shape_cast %swap3A_311 : vector<1x16xf32> to vector<16xf32>
          %swap3A_313 = vector.shape_cast %min3A_308 : vector<16xf32> to vector<1x16xf32>
          tpu.vector_store %arg14[%swap3A_309, %swap3A_310], %swap3A_313 {strides = array<i32>} : memref<64x128xf32, #tpu.memory_space<vmem>>, vector<1x16xf32>,
          %get3A_314 = arith.index_cast %scan3A_218 : i32 to index
          %get3A_315 = arith.constant 112 : index
          %get3A_316 = tpu.vector_load %arg10[%get3A_314, %get3A_315] {strides = array<i32>} : memref<64x128xf32, #tpu.memory_space<vmem>>, vector<1x16xf32>,
          %get3A_317 = vector.shape_cast %get3A_316 : vector<1x16xf32> to vector<16xf32>
          %get3A_318 = arith.index_cast %scan3A_218 : i32 to index
          %get3A_319 = arith.constant 112 : index
          %get3A_320 = tpu.vector_load %arg12[%get3A_318, %get3A_319] {strides = array<i32>} : memref<64x128xf32, #tpu.memory_space<vmem>>, vector<1x16xf32>,
          %get3A_321 = vector.shape_cast %get3A_320 : vector<1x16xf32> to vector<16xf32>
          %min3A_322 = arith.minimumf %get3A_317, %get3A_321 : vector<16xf32>
          %swap3A_323 = arith.index_cast %scan3A_218 : i32 to index
          %swap3A_324 = arith.constant 112 : index
          %swap3A_325 = tpu.vector_load %arg14[%swap3A_323, %swap3A_324] {strides = array<i32>} : memref<64x128xf32, #tpu.memory_space<vmem>>, vector<1x16xf32>,
          %swap3A_326 = vector.shape_cast %swap3A_325 : vector<1x16xf32> to vector<16xf32>
          %swap3A_327 = vector.shape_cast %min3A_322 : vector<16xf32> to vector<1x16xf32>
          tpu.vector_store %arg14[%swap3A_323, %swap3A_324], %swap3A_327 {strides = array<i32>} : memref<64x128xf32, #tpu.memory_space<vmem>>, vector<1x16xf32>,
        }
        %scan3A_212 = arith.constant 64 : i32
        %mul3A_213 = arith.constant 64 : i32
        %mul3A_214 = arith.muli %add3A_122, %mul3A_213 : i32
        %dma_start3A = arith.constant 0 : i32
        %dma_start3A_215 = tpu.memref_slice %arg5[%mul3A_214, %dma_start3A] : memref<320000x128xf32, #tpu.memory_space<hbm>> -> memref<64x128xf32, #tpu.memory_space<hbm>>
        %dma_start3A_216 = arith.constant 0 : i32
        %dma_start3A_217 = tpu.memref_slice %arg5[%mul3A_214, %dma_start3A_216] : memref<320000x128xf32, #tpu.memory_space<hbm>> -> memref<64x128xf32, #tpu.memory_space<hbm>>
        tpu.enqueue_dma source(%arg14 : memref<64x128xf32, #tpu.memory_space<vmem>>) target(%dma_start3A_217 : memref<64x128xf32, #tpu.memory_space<hbm>>) target_semaphore(%arg23 : memref<!tpu.dma_semaphore, #tpu.memory_space<semaphore_mem>>)
      } else {
      }
      %mul3A_160 = arith.constant 2 : i32
      %mul3A_161 = arith.muli %mul3A_160, %scan3A_115 : i32
      %add3A_162 = arith.constant 1 : i32
      %add3A_163 = arith.addi %mul3A_161, %add3A_162 : i32
      %mul3A_164 = arith.constant 32 : i32
      %mul3A_165 = arith.muli %mul3A_164, %add3A_163 : i32
      %add3A_166 = arith.addi %mul3A_165, %add3A : i32
      %add3A_167 = arith.constant 1 : i32
      %add3A_168 = arith.addi %add3A_163, %add3A_167 : i32
      %lt3A_169 = arith.constant 157 : i32
      %lt3A_170 = arith.cmpi slt, %add3A_168, %lt3A_169 : i32
      %convert_element_type3A_171 = arith.extui %lt3A_170 : i1 to i32
      %cond3A_172 = arith.constant 0 : i32
      %cond3A_173 = arith.cmpi ne, %convert_element_type3A_171, %cond3A_172 : i32
      scf.if %cond3A_173 {
        %add3A_207 = arith.constant 1 : i32
        %add3A_208 = arith.addi %add3A_163, %add3A_207 : i32
        %mul3A_209 = arith.constant 32 : i32
        %mul3A_210 = arith.muli %mul3A_209, %add3A_208 : i32
        %add3A_211 = arith.addi %mul3A_210, %add3A : i32
        %lt3A_212 = arith.constant 5000 : i32
        %lt3A_213 = arith.cmpi slt, %add3A_211, %lt3A_212 : i32
        %convert_element_type3A_214 = arith.extui %lt3A_213 : i1 to i32
        %cond3A_215 = arith.constant 0 : i32
        %cond3A_216 = arith.cmpi ne, %convert_element_type3A_214, %cond3A_215 : i32
        scf.if %cond3A_216 {
          %dma_wait3A = arith.constant 0 : i32
          %dma_wait3A_227 = tpu.memref_slice %arg3[%add3A_211, %dma_wait3A] : memref<5000x64xi32, #tpu.memory_space<hbm>> -> memref<1x64xi32, #tpu.memory_space<hbm>>
          %dma_wait3A_228 = tpu.memref_squeeze %dma_wait3A_227 : memref<1x64xi32, #tpu.memory_space<hbm>> -> memref<64xi32, #tpu.memory_space<hbm>>
          %dma_wait3A_229 = arith.constant 0 : i32
          %dma_wait3A_230 = tpu.memref_slice %arg3[%add3A_211, %dma_wait3A_229] : memref<5000x64xi32, #tpu.memory_space<hbm>> -> memref<1x64xi32, #tpu.memory_space<hbm>>
          %dma_wait3A_231 = tpu.memref_squeeze %dma_wait3A_230 : memref<1x64xi32, #tpu.memory_space<hbm>> -> memref<64xi32, #tpu.memory_space<hbm>>
          tpu.wait_dma2 semaphore(%arg17 : memref<!tpu.dma_semaphore, #tpu.memory_space<semaphore_mem>>) src(%dma_wait3A_231 : memref<64xi32, #tpu.memory_space<hbm>>) dst(%arg6 : memref<64xi32, #tpu.memory_space<vmem>>)
          %dma_wait3A_232 = arith.constant 0 : i32
          %dma_wait3A_233 = tpu.memref_slice %arg4[%add3A_211, %dma_wait3A_232] : memref<5000x64xi32, #tpu.memory_space<hbm>> -> memref<1x64xi32, #tpu.memory_space<hbm>>
          %dma_wait3A_234 = tpu.memref_squeeze %dma_wait3A_233 : memref<1x64xi32, #tpu.memory_space<hbm>> -> memref<64xi32, #tpu.memory_space<hbm>>
          %dma_wait3A_235 = arith.constant 0 : i32
          %dma_wait3A_236 = tpu.memref_slice %arg4[%add3A_211, %dma_wait3A_235] : memref<5000x64xi32, #tpu.memory_space<hbm>> -> memref<1x64xi32, #tpu.memory_space<hbm>>
          %dma_wait3A_237 = tpu.memref_squeeze %dma_wait3A_236 : memref<1x64xi32, #tpu.memory_space<hbm>> -> memref<64xi32, #tpu.memory_space<hbm>>
          tpu.wait_dma2 semaphore(%arg17 : memref<!tpu.dma_semaphore, #tpu.memory_space<semaphore_mem>>) src(%dma_wait3A_237 : memref<64xi32, #tpu.memory_space<hbm>>) dst(%arg8 : memref<64xi32, #tpu.memory_space<vmem>>)
        } else {
        }
        %add3A_217 = arith.constant 1 : i32
        %add3A_218 = arith.addi %add3A_163, %add3A_217 : i32
        %mul3A_219 = arith.constant 32 : i32
        %mul3A_220 = arith.muli %mul3A_219, %add3A_218 : i32
        %add3A_221 = arith.addi %mul3A_220, %add3A : i32
        %lt3A_222 = arith.constant 5000 : i32
        %lt3A_223 = arith.cmpi slt, %add3A_221, %lt3A_222 : i32
        %convert_element_type3A_224 = arith.extui %lt3A_223 : i1 to i32
        %cond3A_225 = arith.constant 0 : i32
        %cond3A_226 = arith.cmpi ne, %convert_element_type3A_224, %cond3A_225 : i32
        scf.if %cond3A_226 {
          %dma_start3A = arith.constant 0 : i32
          %dma_start3A_227 = arith.constant 0 : i32
          %dma_start3A_228 = tpu.memref_slice %arg16[%dma_start3A, %dma_start3A_227] : memref<10000x128xf32, #tpu.memory_space<vmem_shared>> -> memref<10000x128xf32, #tpu.memory_space<vmem_shared>>
          tpu.enqueue_indirect_dma source(%dma_start3A_228 : memref<10000x128xf32, #tpu.memory_space<vmem_shared>>) target(%arg10 : memref<64x128xf32, #tpu.memory_space<vmem>>) offsets(%arg6 : memref<64xi32, #tpu.memory_space<vmem>>) semaphore(%arg19 : memref<!tpu.dma_semaphore, #tpu.memory_space<semaphore_mem>>)
          %dma_start3A_229 = arith.constant 0 : i32
          %dma_start3A_230 = arith.constant 0 : i32
          %dma_start3A_231 = tpu.memref_slice %arg16[%dma_start3A_229, %dma_start3A_230] : memref<10000x128xf32, #tpu.memory_space<vmem_shared>> -> memref<10000x128xf32, #tpu.memory_space<vmem_shared>>
          tpu.enqueue_indirect_dma source(%dma_start3A_231 : memref<10000x128xf32, #tpu.memory_space<vmem_shared>>) target(%arg12 : memref<64x128xf32, #tpu.memory_space<vmem>>) offsets(%arg8 : memref<64xi32, #tpu.memory_space<vmem>>) semaphore(%arg21 : memref<!tpu.dma_semaphore, #tpu.memory_space<semaphore_mem>>)
        } else {
        }
      } else {
      }
      %mul3A_174 = arith.constant 32 : i32
      %mul3A_175 = arith.muli %mul3A_174, %add3A_163 : i32
      %add3A_176 = arith.addi %mul3A_175, %add3A : i32
      %lt3A_177 = arith.constant 5000 : i32
      %lt3A_178 = arith.cmpi slt, %add3A_176, %lt3A_177 : i32
      %convert_element_type3A_179 = arith.extui %lt3A_178 : i1 to i32
      %cond3A_180 = arith.constant 0 : i32
      %cond3A_181 = arith.cmpi ne, %convert_element_type3A_179, %cond3A_180 : i32
      scf.if %cond3A_181 {
        %dma_wait3A = arith.constant 0 : i32
        %dma_wait3A_207 = arith.constant 0 : i32
        %dma_wait3A_208 = tpu.memref_slice %arg16[%dma_wait3A, %dma_wait3A_207] : memref<10000x128xf32, #tpu.memory_space<vmem_shared>> -> memref<10000x128xf32, #tpu.memory_space<vmem_shared>>
        tpu.wait_indirect_dma semaphore(%arg20 : memref<!tpu.dma_semaphore, #tpu.memory_space<semaphore_mem>>) src(%dma_wait3A_208 : memref<10000x128xf32, #tpu.memory_space<vmem_shared>>) dst(%arg11 : memref<64x128xf32, #tpu.memory_space<vmem>>)
        %dma_wait3A_209 = arith.constant 0 : i32
        %dma_wait3A_210 = arith.constant 0 : i32
        %dma_wait3A_211 = tpu.memref_slice %arg16[%dma_wait3A_209, %dma_wait3A_210] : memref<10000x128xf32, #tpu.memory_space<vmem_shared>> -> memref<10000x128xf32, #tpu.memory_space<vmem_shared>>
        tpu.wait_indirect_dma semaphore(%arg22 : memref<!tpu.dma_semaphore, #tpu.memory_space<semaphore_mem>>) src(%dma_wait3A_211 : memref<10000x128xf32, #tpu.memory_space<vmem_shared>>) dst(%arg13 : memref<64x128xf32, #tpu.memory_space<vmem>>)
      } else {
      }
      %add3A_182 = arith.constant 2 : i32
      %add3A_183 = arith.addi %add3A_163, %add3A_182 : i32
      %lt3A_184 = arith.constant 157 : i32
      %lt3A_185 = arith.cmpi slt, %add3A_183, %lt3A_184 : i32
      %convert_element_type3A_186 = arith.extui %lt3A_185 : i1 to i32
      %cond3A_187 = arith.constant 0 : i32
      %cond3A_188 = arith.cmpi ne, %convert_element_type3A_186, %cond3A_187 : i32
      scf.if %cond3A_188 {
        %add3A_207 = arith.constant 2 : i32
        %add3A_208 = arith.addi %add3A_163, %add3A_207 : i32
        %mul3A_209 = arith.constant 32 : i32
        %mul3A_210 = arith.muli %mul3A_209, %add3A_208 : i32
        %add3A_211 = arith.addi %mul3A_210, %add3A : i32
        %lt3A_212 = arith.constant 5000 : i32
        %lt3A_213 = arith.cmpi slt, %add3A_211, %lt3A_212 : i32
        %convert_element_type3A_214 = arith.extui %lt3A_213 : i1 to i32
        %cond3A_215 = arith.constant 0 : i32
        %cond3A_216 = arith.cmpi ne, %convert_element_type3A_214, %cond3A_215 : i32
        scf.if %cond3A_216 {
          %dma_start3A = arith.constant 0 : i32
          %dma_start3A_217 = tpu.memref_slice %arg3[%add3A_211, %dma_start3A] : memref<5000x64xi32, #tpu.memory_space<hbm>> -> memref<1x64xi32, #tpu.memory_space<hbm>>
          %dma_start3A_218 = tpu.memref_squeeze %dma_start3A_217 : memref<1x64xi32, #tpu.memory_space<hbm>> -> memref<64xi32, #tpu.memory_space<hbm>>
          %dma_start3A_219 = arith.constant 0 : i32
          %dma_start3A_220 = tpu.memref_slice %arg3[%add3A_211, %dma_start3A_219] : memref<5000x64xi32, #tpu.memory_space<hbm>> -> memref<1x64xi32, #tpu.memory_space<hbm>>
          %dma_start3A_221 = tpu.memref_squeeze %dma_start3A_220 : memref<1x64xi32, #tpu.memory_space<hbm>> -> memref<64xi32, #tpu.memory_space<hbm>>
          tpu.enqueue_dma source(%dma_start3A_221 : memref<64xi32, #tpu.memory_space<hbm>>) target(%arg7 : memref<64xi32, #tpu.memory_space<vmem>>) target_semaphore(%arg18 : memref<!tpu.dma_semaphore, #tpu.memory_space<semaphore_mem>>)
          %dma_start3A_222 = arith.constant 0 : i32
          %dma_start3A_223 = tpu.memref_slice %arg4[%add3A_211, %dma_start3A_222] : memref<5000x64xi32, #tpu.memory_space<hbm>> -> memref<1x64xi32, #tpu.memory_space<hbm>>
          %dma_start3A_224 = tpu.memref_squeeze %dma_start3A_223 : memref<1x64xi32, #tpu.memory_space<hbm>> -> memref<64xi32, #tpu.memory_space<hbm>>
          %dma_start3A_225 = arith.constant 0 : i32
          %dma_start3A_226 = tpu.memref_slice %arg4[%add3A_211, %dma_start3A_225] : memref<5000x64xi32, #tpu.memory_space<hbm>> -> memref<1x64xi32, #tpu.memory_space<hbm>>
          %dma_start3A_227 = tpu.memref_squeeze %dma_start3A_226 : memref<1x64xi32, #tpu.memory_space<hbm>> -> memref<64xi32, #tpu.memory_space<hbm>>
          tpu.enqueue_dma source(%dma_start3A_227 : memref<64xi32, #tpu.memory_space<hbm>>) target(%arg9 : memref<64xi32, #tpu.memory_space<vmem>>) target_semaphore(%arg18 : memref<!tpu.dma_semaphore, #tpu.memory_space<semaphore_mem>>)
        } else {
        }
      } else {
      }
      %ge3A_189 = arith.constant 2 : i32
      %ge3A_190 = arith.cmpi sge, %add3A_163, %ge3A_189 : i32
      %sub3A_191 = arith.constant 2 : i32
      %sub3A_192 = arith.subi %add3A_163, %sub3A_191 : i32
      %mul3A_193 = arith.constant 32 : i32
      %mul3A_194 = arith.muli %mul3A_193, %sub3A_192 : i32
      %add3A_195 = arith.addi %mul3A_194, %add3A : i32
      %lt3A_196 = arith.constant 5000 : i32
      %lt3A_197 = arith.cmpi slt, %add3A_195, %lt3A_196 : i32
      %and3A_198 = arith.andi %ge3A_190, %lt3A_197 : i1
      %convert_element_type3A_199 = arith.extui %and3A_198 : i1 to i32
      %cond3A_200 = arith.constant 0 : i32
      %cond3A_201 = arith.cmpi ne, %convert_element_type3A_199, %cond3A_200 : i32
      scf.if %cond3A_201 {
        %dma_wait3A = arith.constant 0 : i32
        %dma_wait3A_207 = arith.constant 0 : i32
        %dma_wait3A_208 = tpu.memref_slice %arg5[%dma_wait3A, %dma_wait3A_207] : memref<320000x128xf32, #tpu.memory_space<hbm>> -> memref<64x128xf32, #tpu.memory_space<hbm>>
        %dma_wait3A_209 = arith.constant 0 : i32
        %dma_wait3A_210 = arith.constant 0 : i32
        %dma_wait3A_211 = tpu.memref_slice %arg5[%dma_wait3A_209, %dma_wait3A_210] : memref<320000x128xf32, #tpu.memory_space<hbm>> -> memref<64x128xf32, #tpu.memory_space<hbm>>
        tpu.wait_dma2 semaphore(%arg24 : memref<!tpu.dma_semaphore, #tpu.memory_space<semaphore_mem>>) src(%arg15 : memref<64x128xf32, #tpu.memory_space<vmem>>) dst(%dma_wait3A_211 : memref<64x128xf32, #tpu.memory_space<hbm>>)
      } else {
      }
      %lt3A_202 = arith.constant 5000 : i32
      %lt3A_203 = arith.cmpi slt, %add3A_166, %lt3A_202 : i32
      %convert_element_type3A_204 = arith.extui %lt3A_203 : i1 to i32
      %cond3A_205 = arith.constant 0 : i32
      %cond3A_206 = arith.cmpi ne, %convert_element_type3A_204, %cond3A_205 : i32
      scf.if %cond3A_206 {
        %scan3A_207 = arith.constant 0 : i32
        %scan3A_208 = arith.constant 0 : i32
        %scan3A_209 = arith.constant 64 : i32
        %scan3A_210 = arith.addi %scan3A_208, %scan3A_209 : i32
        %scan3A_211 = arith.constant 1 : i32
        scf.for %scan3A_218 = %scan3A_208 to %scan3A_210 step %scan3A_211  : i32 {
          %get3A = arith.index_cast %scan3A_218 : i32 to index
          %get3A_219 = arith.constant 0 : index
          %get3A_220 = tpu.vector_load %arg11[%get3A, %get3A_219] {strides = array<i32>} : memref<64x128xf32, #tpu.memory_space<vmem>>, vector<1x16xf32>,
          %get3A_221 = vector.shape_cast %get3A_220 : vector<1x16xf32> to vector<16xf32>
          %get3A_222 = arith.index_cast %scan3A_218 : i32 to index
          %get3A_223 = arith.constant 0 : index
          %get3A_224 = tpu.vector_load %arg13[%get3A_222, %get3A_223] {strides = array<i32>} : memref<64x128xf32, #tpu.memory_space<vmem>>, vector<1x16xf32>,
          %get3A_225 = vector.shape_cast %get3A_224 : vector<1x16xf32> to vector<16xf32>
          %min3A = arith.minimumf %get3A_221, %get3A_225 : vector<16xf32>
          %swap3A = arith.index_cast %scan3A_218 : i32 to index
          %swap3A_226 = arith.constant 0 : index
          %swap3A_227 = tpu.vector_load %arg15[%swap3A, %swap3A_226] {strides = array<i32>} : memref<64x128xf32, #tpu.memory_space<vmem>>, vector<1x16xf32>,
          %swap3A_228 = vector.shape_cast %swap3A_227 : vector<1x16xf32> to vector<16xf32>
          %swap3A_229 = vector.shape_cast %min3A : vector<16xf32> to vector<1x16xf32>
          tpu.vector_store %arg15[%swap3A, %swap3A_226], %swap3A_229 {strides = array<i32>} : memref<64x128xf32, #tpu.memory_space<vmem>>, vector<1x16xf32>,
          %get3A_230 = arith.index_cast %scan3A_218 : i32 to index
          %get3A_231 = arith.constant 16 : index
          %get3A_232 = tpu.vector_load %arg11[%get3A_230, %get3A_231] {strides = array<i32>} : memref<64x128xf32, #tpu.memory_space<vmem>>, vector<1x16xf32>,
          %get3A_233 = vector.shape_cast %get3A_232 : vector<1x16xf32> to vector<16xf32>
          %get3A_234 = arith.index_cast %scan3A_218 : i32 to index
          %get3A_235 = arith.constant 16 : index
          %get3A_236 = tpu.vector_load %arg13[%get3A_234, %get3A_235] {strides = array<i32>} : memref<64x128xf32, #tpu.memory_space<vmem>>, vector<1x16xf32>,
          %get3A_237 = vector.shape_cast %get3A_236 : vector<1x16xf32> to vector<16xf32>
          %min3A_238 = arith.minimumf %get3A_233, %get3A_237 : vector<16xf32>
          %swap3A_239 = arith.index_cast %scan3A_218 : i32 to index
          %swap3A_240 = arith.constant 16 : index
          %swap3A_241 = tpu.vector_load %arg15[%swap3A_239, %swap3A_240] {strides = array<i32>} : memref<64x128xf32, #tpu.memory_space<vmem>>, vector<1x16xf32>,
          %swap3A_242 = vector.shape_cast %swap3A_241 : vector<1x16xf32> to vector<16xf32>
          %swap3A_243 = vector.shape_cast %min3A_238 : vector<16xf32> to vector<1x16xf32>
          tpu.vector_store %arg15[%swap3A_239, %swap3A_240], %swap3A_243 {strides = array<i32>} : memref<64x128xf32, #tpu.memory_space<vmem>>, vector<1x16xf32>,
          %get3A_244 = arith.index_cast %scan3A_218 : i32 to index
          %get3A_245 = arith.constant 32 : index
          %get3A_246 = tpu.vector_load %arg11[%get3A_244, %get3A_245] {strides = array<i32>} : memref<64x128xf32, #tpu.memory_space<vmem>>, vector<1x16xf32>,
          %get3A_247 = vector.shape_cast %get3A_246 : vector<1x16xf32> to vector<16xf32>
          %get3A_248 = arith.index_cast %scan3A_218 : i32 to index
          %get3A_249 = arith.constant 32 : index
          %get3A_250 = tpu.vector_load %arg13[%get3A_248, %get3A_249] {strides = array<i32>} : memref<64x128xf32, #tpu.memory_space<vmem>>, vector<1x16xf32>,
          %get3A_251 = vector.shape_cast %get3A_250 : vector<1x16xf32> to vector<16xf32>
          %min3A_252 = arith.minimumf %get3A_247, %get3A_251 : vector<16xf32>
          %swap3A_253 = arith.index_cast %scan3A_218 : i32 to index
          %swap3A_254 = arith.constant 32 : index
          %swap3A_255 = tpu.vector_load %arg15[%swap3A_253, %swap3A_254] {strides = array<i32>} : memref<64x128xf32, #tpu.memory_space<vmem>>, vector<1x16xf32>,
          %swap3A_256 = vector.shape_cast %swap3A_255 : vector<1x16xf32> to vector<16xf32>
          %swap3A_257 = vector.shape_cast %min3A_252 : vector<16xf32> to vector<1x16xf32>
          tpu.vector_store %arg15[%swap3A_253, %swap3A_254], %swap3A_257 {strides = array<i32>} : memref<64x128xf32, #tpu.memory_space<vmem>>, vector<1x16xf32>,
          %get3A_258 = arith.index_cast %scan3A_218 : i32 to index
          %get3A_259 = arith.constant 48 : index
          %get3A_260 = tpu.vector_load %arg11[%get3A_258, %get3A_259] {strides = array<i32>} : memref<64x128xf32, #tpu.memory_space<vmem>>, vector<1x16xf32>,
          %get3A_261 = vector.shape_cast %get3A_260 : vector<1x16xf32> to vector<16xf32>
          %get3A_262 = arith.index_cast %scan3A_218 : i32 to index
          %get3A_263 = arith.constant 48 : index
          %get3A_264 = tpu.vector_load %arg13[%get3A_262, %get3A_263] {strides = array<i32>} : memref<64x128xf32, #tpu.memory_space<vmem>>, vector<1x16xf32>,
          %get3A_265 = vector.shape_cast %get3A_264 : vector<1x16xf32> to vector<16xf32>
          %min3A_266 = arith.minimumf %get3A_261, %get3A_265 : vector<16xf32>
          %swap3A_267 = arith.index_cast %scan3A_218 : i32 to index
          %swap3A_268 = arith.constant 48 : index
          %swap3A_269 = tpu.vector_load %arg15[%swap3A_267, %swap3A_268] {strides = array<i32>} : memref<64x128xf32, #tpu.memory_space<vmem>>, vector<1x16xf32>,
          %swap3A_270 = vector.shape_cast %swap3A_269 : vector<1x16xf32> to vector<16xf32>
          %swap3A_271 = vector.shape_cast %min3A_266 : vector<16xf32> to vector<1x16xf32>
          tpu.vector_store %arg15[%swap3A_267, %swap3A_268], %swap3A_271 {strides = array<i32>} : memref<64x128xf32, #tpu.memory_space<vmem>>, vector<1x16xf32>,
          %get3A_272 = arith.index_cast %scan3A_218 : i32 to index
          %get3A_273 = arith.constant 64 : index
          %get3A_274 = tpu.vector_load %arg11[%get3A_272, %get3A_273] {strides = array<i32>} : memref<64x128xf32, #tpu.memory_space<vmem>>, vector<1x16xf32>,
          %get3A_275 = vector.shape_cast %get3A_274 : vector<1x16xf32> to vector<16xf32>
          %get3A_276 = arith.index_cast %scan3A_218 : i32 to index
          %get3A_277 = arith.constant 64 : index
          %get3A_278 = tpu.vector_load %arg13[%get3A_276, %get3A_277] {strides = array<i32>} : memref<64x128xf32, #tpu.memory_space<vmem>>, vector<1x16xf32>,
          %get3A_279 = vector.shape_cast %get3A_278 : vector<1x16xf32> to vector<16xf32>
          %min3A_280 = arith.minimumf %get3A_275, %get3A_279 : vector<16xf32>
          %swap3A_281 = arith.index_cast %scan3A_218 : i32 to index
          %swap3A_282 = arith.constant 64 : index
          %swap3A_283 = tpu.vector_load %arg15[%swap3A_281, %swap3A_282] {strides = array<i32>} : memref<64x128xf32, #tpu.memory_space<vmem>>, vector<1x16xf32>,
          %swap3A_284 = vector.shape_cast %swap3A_283 : vector<1x16xf32> to vector<16xf32>
          %swap3A_285 = vector.shape_cast %min3A_280 : vector<16xf32> to vector<1x16xf32>
          tpu.vector_store %arg15[%swap3A_281, %swap3A_282], %swap3A_285 {strides = array<i32>} : memref<64x128xf32, #tpu.memory_space<vmem>>, vector<1x16xf32>,
          %get3A_286 = arith.index_cast %scan3A_218 : i32 to index
          %get3A_287 = arith.constant 80 : index
          %get3A_288 = tpu.vector_load %arg11[%get3A_286, %get3A_287] {strides = array<i32>} : memref<64x128xf32, #tpu.memory_space<vmem>>, vector<1x16xf32>,
          %get3A_289 = vector.shape_cast %get3A_288 : vector<1x16xf32> to vector<16xf32>
          %get3A_290 = arith.index_cast %scan3A_218 : i32 to index
          %get3A_291 = arith.constant 80 : index
          %get3A_292 = tpu.vector_load %arg13[%get3A_290, %get3A_291] {strides = array<i32>} : memref<64x128xf32, #tpu.memory_space<vmem>>, vector<1x16xf32>,
          %get3A_293 = vector.shape_cast %get3A_292 : vector<1x16xf32> to vector<16xf32>
          %min3A_294 = arith.minimumf %get3A_289, %get3A_293 : vector<16xf32>
          %swap3A_295 = arith.index_cast %scan3A_218 : i32 to index
          %swap3A_296 = arith.constant 80 : index
          %swap3A_297 = tpu.vector_load %arg15[%swap3A_295, %swap3A_296] {strides = array<i32>} : memref<64x128xf32, #tpu.memory_space<vmem>>, vector<1x16xf32>,
          %swap3A_298 = vector.shape_cast %swap3A_297 : vector<1x16xf32> to vector<16xf32>
          %swap3A_299 = vector.shape_cast %min3A_294 : vector<16xf32> to vector<1x16xf32>
          tpu.vector_store %arg15[%swap3A_295, %swap3A_296], %swap3A_299 {strides = array<i32>} : memref<64x128xf32, #tpu.memory_space<vmem>>, vector<1x16xf32>,
          %get3A_300 = arith.index_cast %scan3A_218 : i32 to index
          %get3A_301 = arith.constant 96 : index
          %get3A_302 = tpu.vector_load %arg11[%get3A_300, %get3A_301] {strides = array<i32>} : memref<64x128xf32, #tpu.memory_space<vmem>>, vector<1x16xf32>,
          %get3A_303 = vector.shape_cast %get3A_302 : vector<1x16xf32> to vector<16xf32>
          %get3A_304 = arith.index_cast %scan3A_218 : i32 to index
          %get3A_305 = arith.constant 96 : index
          %get3A_306 = tpu.vector_load %arg13[%get3A_304, %get3A_305] {strides = array<i32>} : memref<64x128xf32, #tpu.memory_space<vmem>>, vector<1x16xf32>,
          %get3A_307 = vector.shape_cast %get3A_306 : vector<1x16xf32> to vector<16xf32>
          %min3A_308 = arith.minimumf %get3A_303, %get3A_307 : vector<16xf32>
          %swap3A_309 = arith.index_cast %scan3A_218 : i32 to index
          %swap3A_310 = arith.constant 96 : index
          %swap3A_311 = tpu.vector_load %arg15[%swap3A_309, %swap3A_310] {strides = array<i32>} : memref<64x128xf32, #tpu.memory_space<vmem>>, vector<1x16xf32>,
          %swap3A_312 = vector.shape_cast %swap3A_311 : vector<1x16xf32> to vector<16xf32>
          %swap3A_313 = vector.shape_cast %min3A_308 : vector<16xf32> to vector<1x16xf32>
          tpu.vector_store %arg15[%swap3A_309, %swap3A_310], %swap3A_313 {strides = array<i32>} : memref<64x128xf32, #tpu.memory_space<vmem>>, vector<1x16xf32>,
          %get3A_314 = arith.index_cast %scan3A_218 : i32 to index
          %get3A_315 = arith.constant 112 : index
          %get3A_316 = tpu.vector_load %arg11[%get3A_314, %get3A_315] {strides = array<i32>} : memref<64x128xf32, #tpu.memory_space<vmem>>, vector<1x16xf32>,
          %get3A_317 = vector.shape_cast %get3A_316 : vector<1x16xf32> to vector<16xf32>
          %get3A_318 = arith.index_cast %scan3A_218 : i32 to index
          %get3A_319 = arith.constant 112 : index
          %get3A_320 = tpu.vector_load %arg13[%get3A_318, %get3A_319] {strides = array<i32>} : memref<64x128xf32, #tpu.memory_space<vmem>>, vector<1x16xf32>,
          %get3A_321 = vector.shape_cast %get3A_320 : vector<1x16xf32> to vector<16xf32>
          %min3A_322 = arith.minimumf %get3A_317, %get3A_321 : vector<16xf32>
          %swap3A_323 = arith.index_cast %scan3A_218 : i32 to index
          %swap3A_324 = arith.constant 112 : index
          %swap3A_325 = tpu.vector_load %arg15[%swap3A_323, %swap3A_324] {strides = array<i32>} : memref<64x128xf32, #tpu.memory_space<vmem>>, vector<1x16xf32>,
          %swap3A_326 = vector.shape_cast %swap3A_325 : vector<1x16xf32> to vector<16xf32>
          %swap3A_327 = vector.shape_cast %min3A_322 : vector<16xf32> to vector<1x16xf32>
          tpu.vector_store %arg15[%swap3A_323, %swap3A_324], %swap3A_327 {strides = array<i32>} : memref<64x128xf32, #tpu.memory_space<vmem>>, vector<1x16xf32>,
        }
        %scan3A_212 = arith.constant 64 : i32
        %mul3A_213 = arith.constant 64 : i32
        %mul3A_214 = arith.muli %add3A_166, %mul3A_213 : i32
        %dma_start3A = arith.constant 0 : i32
        %dma_start3A_215 = tpu.memref_slice %arg5[%mul3A_214, %dma_start3A] : memref<320000x128xf32, #tpu.memory_space<hbm>> -> memref<64x128xf32, #tpu.memory_space<hbm>>
        %dma_start3A_216 = arith.constant 0 : i32
        %dma_start3A_217 = tpu.memref_slice %arg5[%mul3A_214, %dma_start3A_216] : memref<320000x128xf32, #tpu.memory_space<hbm>> -> memref<64x128xf32, #tpu.memory_space<hbm>>
        tpu.enqueue_dma source(%arg15 : memref<64x128xf32, #tpu.memory_space<vmem>>) target(%dma_start3A_217 : memref<64x128xf32, #tpu.memory_space<hbm>>) target_semaphore(%arg24 : memref<!tpu.dma_semaphore, #tpu.memory_space<semaphore_mem>>)
      } else {
      }
    }
    %scan3A_79 = arith.constant 78 : i32
    %add3A_80 = arith.constant 4992 : i32
    %add3A_81 = arith.addi %add3A_80, %add3A : i32
    %lt3A_82 = arith.constant 5000 : i32
    %lt3A_83 = arith.cmpi slt, %add3A_81, %lt3A_82 : i32
    %convert_element_type3A_84 = arith.extui %lt3A_83 : i1 to i32
    %cond3A_85 = arith.constant 0 : i32
    %cond3A_86 = arith.cmpi ne, %convert_element_type3A_84, %cond3A_85 : i32
    scf.if %cond3A_86 {
      %dma_wait3A = arith.constant 0 : i32
      %dma_wait3A_115 = arith.constant 0 : i32
      %dma_wait3A_116 = tpu.memref_slice %arg16[%dma_wait3A, %dma_wait3A_115] : memref<10000x128xf32, #tpu.memory_space<vmem_shared>> -> memref<10000x128xf32, #tpu.memory_space<vmem_shared>>
      tpu.wait_indirect_dma semaphore(%arg19 : memref<!tpu.dma_semaphore, #tpu.memory_space<semaphore_mem>>) src(%dma_wait3A_116 : memref<10000x128xf32, #tpu.memory_space<vmem_shared>>) dst(%arg10 : memref<64x128xf32, #tpu.memory_space<vmem>>)
      %dma_wait3A_117 = arith.constant 0 : i32
      %dma_wait3A_118 = arith.constant 0 : i32
      %dma_wait3A_119 = tpu.memref_slice %arg16[%dma_wait3A_117, %dma_wait3A_118] : memref<10000x128xf32, #tpu.memory_space<vmem_shared>> -> memref<10000x128xf32, #tpu.memory_space<vmem_shared>>
      tpu.wait_indirect_dma semaphore(%arg21 : memref<!tpu.dma_semaphore, #tpu.memory_space<semaphore_mem>>) src(%dma_wait3A_119 : memref<10000x128xf32, #tpu.memory_space<vmem_shared>>) dst(%arg12 : memref<64x128xf32, #tpu.memory_space<vmem>>)
    } else {
    }
    %add3A_87 = arith.constant 4928 : i32
    %add3A_88 = arith.addi %add3A_87, %add3A : i32
    %lt3A_89 = arith.constant 5000 : i32
    %lt3A_90 = arith.cmpi slt, %add3A_88, %lt3A_89 : i32
    %convert_element_type3A_91 = arith.extui %lt3A_90 : i1 to i32
    %cond3A_92 = arith.constant 0 : i32
    %cond3A_93 = arith.cmpi ne, %convert_element_type3A_91, %cond3A_92 : i32
    scf.if %cond3A_93 {
      %dma_wait3A = arith.constant 0 : i32
      %dma_wait3A_115 = arith.constant 0 : i32
      %dma_wait3A_116 = tpu.memref_slice %arg5[%dma_wait3A, %dma_wait3A_115] : memref<320000x128xf32, #tpu.memory_space<hbm>> -> memref<64x128xf32, #tpu.memory_space<hbm>>
      %dma_wait3A_117 = arith.constant 0 : i32
      %dma_wait3A_118 = arith.constant 0 : i32
      %dma_wait3A_119 = tpu.memref_slice %arg5[%dma_wait3A_117, %dma_wait3A_118] : memref<320000x128xf32, #tpu.memory_space<hbm>> -> memref<64x128xf32, #tpu.memory_space<hbm>>
      tpu.wait_dma2 semaphore(%arg23 : memref<!tpu.dma_semaphore, #tpu.memory_space<semaphore_mem>>) src(%arg14 : memref<64x128xf32, #tpu.memory_space<vmem>>) dst(%dma_wait3A_119 : memref<64x128xf32, #tpu.memory_space<hbm>>)
    } else {
    }
    %add3A_94 = arith.constant 4992 : i32
    %add3A_95 = arith.addi %add3A_94, %add3A : i32
    %lt3A_96 = arith.constant 5000 : i32
    %lt3A_97 = arith.cmpi slt, %add3A_95, %lt3A_96 : i32
    %convert_element_type3A_98 = arith.extui %lt3A_97 : i1 to i32
    %cond3A_99 = arith.constant 0 : i32
    %cond3A_100 = arith.cmpi ne, %convert_element_type3A_98, %cond3A_99 : i32
    scf.if %cond3A_100 {
      %scan3A_115 = arith.constant 0 : i32
      %scan3A_116 = arith.constant 0 : i32
      %scan3A_117 = arith.constant 64 : i32
      %scan3A_118 = arith.addi %scan3A_116, %scan3A_117 : i32
      %scan3A_119 = arith.constant 1 : i32
      scf.for %scan3A_128 = %scan3A_116 to %scan3A_118 step %scan3A_119  : i32 {
        %get3A = arith.index_cast %scan3A_128 : i32 to index
        %get3A_129 = arith.constant 0 : index
        %get3A_130 = tpu.vector_load %arg10[%get3A, %get3A_129] {strides = array<i32>} : memref<64x128xf32, #tpu.memory_space<vmem>>, vector<1x16xf32>,
        %get3A_131 = vector.shape_cast %get3A_130 : vector<1x16xf32> to vector<16xf32>
        %get3A_132 = arith.index_cast %scan3A_128 : i32 to index
        %get3A_133 = arith.constant 0 : index
        %get3A_134 = tpu.vector_load %arg12[%get3A_132, %get3A_133] {strides = array<i32>} : memref<64x128xf32, #tpu.memory_space<vmem>>, vector<1x16xf32>,
        %get3A_135 = vector.shape_cast %get3A_134 : vector<1x16xf32> to vector<16xf32>
        %min3A = arith.minimumf %get3A_131, %get3A_135 : vector<16xf32>
        %swap3A = arith.index_cast %scan3A_128 : i32 to index
        %swap3A_136 = arith.constant 0 : index
        %swap3A_137 = tpu.vector_load %arg14[%swap3A, %swap3A_136] {strides = array<i32>} : memref<64x128xf32, #tpu.memory_space<vmem>>, vector<1x16xf32>,
        %swap3A_138 = vector.shape_cast %swap3A_137 : vector<1x16xf32> to vector<16xf32>
        %swap3A_139 = vector.shape_cast %min3A : vector<16xf32> to vector<1x16xf32>
        tpu.vector_store %arg14[%swap3A, %swap3A_136], %swap3A_139 {strides = array<i32>} : memref<64x128xf32, #tpu.memory_space<vmem>>, vector<1x16xf32>,
        %get3A_140 = arith.index_cast %scan3A_128 : i32 to index
        %get3A_141 = arith.constant 16 : index
        %get3A_142 = tpu.vector_load %arg10[%get3A_140, %get3A_141] {strides = array<i32>} : memref<64x128xf32, #tpu.memory_space<vmem>>, vector<1x16xf32>,
        %get3A_143 = vector.shape_cast %get3A_142 : vector<1x16xf32> to vector<16xf32>
        %get3A_144 = arith.index_cast %scan3A_128 : i32 to index
        %get3A_145 = arith.constant 16 : index
        %get3A_146 = tpu.vector_load %arg12[%get3A_144, %get3A_145] {strides = array<i32>} : memref<64x128xf32, #tpu.memory_space<vmem>>, vector<1x16xf32>,
        %get3A_147 = vector.shape_cast %get3A_146 : vector<1x16xf32> to vector<16xf32>
        %min3A_148 = arith.minimumf %get3A_143, %get3A_147 : vector<16xf32>
        %swap3A_149 = arith.index_cast %scan3A_128 : i32 to index
        %swap3A_150 = arith.constant 16 : index
        %swap3A_151 = tpu.vector_load %arg14[%swap3A_149, %swap3A_150] {strides = array<i32>} : memref<64x128xf32, #tpu.memory_space<vmem>>, vector<1x16xf32>,
        %swap3A_152 = vector.shape_cast %swap3A_151 : vector<1x16xf32> to vector<16xf32>
        %swap3A_153 = vector.shape_cast %min3A_148 : vector<16xf32> to vector<1x16xf32>
        tpu.vector_store %arg14[%swap3A_149, %swap3A_150], %swap3A_153 {strides = array<i32>} : memref<64x128xf32, #tpu.memory_space<vmem>>, vector<1x16xf32>,
        %get3A_154 = arith.index_cast %scan3A_128 : i32 to index
        %get3A_155 = arith.constant 32 : index
        %get3A_156 = tpu.vector_load %arg10[%get3A_154, %get3A_155] {strides = array<i32>} : memref<64x128xf32, #tpu.memory_space<vmem>>, vector<1x16xf32>,
        %get3A_157 = vector.shape_cast %get3A_156 : vector<1x16xf32> to vector<16xf32>
        %get3A_158 = arith.index_cast %scan3A_128 : i32 to index
        %get3A_159 = arith.constant 32 : index
        %get3A_160 = tpu.vector_load %arg12[%get3A_158, %get3A_159] {strides = array<i32>} : memref<64x128xf32, #tpu.memory_space<vmem>>, vector<1x16xf32>,
        %get3A_161 = vector.shape_cast %get3A_160 : vector<1x16xf32> to vector<16xf32>
        %min3A_162 = arith.minimumf %get3A_157, %get3A_161 : vector<16xf32>
        %swap3A_163 = arith.index_cast %scan3A_128 : i32 to index
        %swap3A_164 = arith.constant 32 : index
        %swap3A_165 = tpu.vector_load %arg14[%swap3A_163, %swap3A_164] {strides = array<i32>} : memref<64x128xf32, #tpu.memory_space<vmem>>, vector<1x16xf32>,
        %swap3A_166 = vector.shape_cast %swap3A_165 : vector<1x16xf32> to vector<16xf32>
        %swap3A_167 = vector.shape_cast %min3A_162 : vector<16xf32> to vector<1x16xf32>
        tpu.vector_store %arg14[%swap3A_163, %swap3A_164], %swap3A_167 {strides = array<i32>} : memref<64x128xf32, #tpu.memory_space<vmem>>, vector<1x16xf32>,
        %get3A_168 = arith.index_cast %scan3A_128 : i32 to index
        %get3A_169 = arith.constant 48 : index
        %get3A_170 = tpu.vector_load %arg10[%get3A_168, %get3A_169] {strides = array<i32>} : memref<64x128xf32, #tpu.memory_space<vmem>>, vector<1x16xf32>,
        %get3A_171 = vector.shape_cast %get3A_170 : vector<1x16xf32> to vector<16xf32>
        %get3A_172 = arith.index_cast %scan3A_128 : i32 to index
        %get3A_173 = arith.constant 48 : index
        %get3A_174 = tpu.vector_load %arg12[%get3A_172, %get3A_173] {strides = array<i32>} : memref<64x128xf32, #tpu.memory_space<vmem>>, vector<1x16xf32>,
        %get3A_175 = vector.shape_cast %get3A_174 : vector<1x16xf32> to vector<16xf32>
        %min3A_176 = arith.minimumf %get3A_171, %get3A_175 : vector<16xf32>
        %swap3A_177 = arith.index_cast %scan3A_128 : i32 to index
        %swap3A_178 = arith.constant 48 : index
        %swap3A_179 = tpu.vector_load %arg14[%swap3A_177, %swap3A_178] {strides = array<i32>} : memref<64x128xf32, #tpu.memory_space<vmem>>, vector<1x16xf32>,
        %swap3A_180 = vector.shape_cast %swap3A_179 : vector<1x16xf32> to vector<16xf32>
        %swap3A_181 = vector.shape_cast %min3A_176 : vector<16xf32> to vector<1x16xf32>
        tpu.vector_store %arg14[%swap3A_177, %swap3A_178], %swap3A_181 {strides = array<i32>} : memref<64x128xf32, #tpu.memory_space<vmem>>, vector<1x16xf32>,
        %get3A_182 = arith.index_cast %scan3A_128 : i32 to index
        %get3A_183 = arith.constant 64 : index
        %get3A_184 = tpu.vector_load %arg10[%get3A_182, %get3A_183] {strides = array<i32>} : memref<64x128xf32, #tpu.memory_space<vmem>>, vector<1x16xf32>,
        %get3A_185 = vector.shape_cast %get3A_184 : vector<1x16xf32> to vector<16xf32>
        %get3A_186 = arith.index_cast %scan3A_128 : i32 to index
        %get3A_187 = arith.constant 64 : index
        %get3A_188 = tpu.vector_load %arg12[%get3A_186, %get3A_187] {strides = array<i32>} : memref<64x128xf32, #tpu.memory_space<vmem>>, vector<1x16xf32>,
        %get3A_189 = vector.shape_cast %get3A_188 : vector<1x16xf32> to vector<16xf32>
        %min3A_190 = arith.minimumf %get3A_185, %get3A_189 : vector<16xf32>
        %swap3A_191 = arith.index_cast %scan3A_128 : i32 to index
        %swap3A_192 = arith.constant 64 : index
        %swap3A_193 = tpu.vector_load %arg14[%swap3A_191, %swap3A_192] {strides = array<i32>} : memref<64x128xf32, #tpu.memory_space<vmem>>, vector<1x16xf32>,
        %swap3A_194 = vector.shape_cast %swap3A_193 : vector<1x16xf32> to vector<16xf32>
        %swap3A_195 = vector.shape_cast %min3A_190 : vector<16xf32> to vector<1x16xf32>
        tpu.vector_store %arg14[%swap3A_191, %swap3A_192], %swap3A_195 {strides = array<i32>} : memref<64x128xf32, #tpu.memory_space<vmem>>, vector<1x16xf32>,
        %get3A_196 = arith.index_cast %scan3A_128 : i32 to index
        %get3A_197 = arith.constant 80 : index
        %get3A_198 = tpu.vector_load %arg10[%get3A_196, %get3A_197] {strides = array<i32>} : memref<64x128xf32, #tpu.memory_space<vmem>>, vector<1x16xf32>,
        %get3A_199 = vector.shape_cast %get3A_198 : vector<1x16xf32> to vector<16xf32>
        %get3A_200 = arith.index_cast %scan3A_128 : i32 to index
        %get3A_201 = arith.constant 80 : index
        %get3A_202 = tpu.vector_load %arg12[%get3A_200, %get3A_201] {strides = array<i32>} : memref<64x128xf32, #tpu.memory_space<vmem>>, vector<1x16xf32>,
        %get3A_203 = vector.shape_cast %get3A_202 : vector<1x16xf32> to vector<16xf32>
        %min3A_204 = arith.minimumf %get3A_199, %get3A_203 : vector<16xf32>
        %swap3A_205 = arith.index_cast %scan3A_128 : i32 to index
        %swap3A_206 = arith.constant 80 : index
        %swap3A_207 = tpu.vector_load %arg14[%swap3A_205, %swap3A_206] {strides = array<i32>} : memref<64x128xf32, #tpu.memory_space<vmem>>, vector<1x16xf32>,
        %swap3A_208 = vector.shape_cast %swap3A_207 : vector<1x16xf32> to vector<16xf32>
        %swap3A_209 = vector.shape_cast %min3A_204 : vector<16xf32> to vector<1x16xf32>
        tpu.vector_store %arg14[%swap3A_205, %swap3A_206], %swap3A_209 {strides = array<i32>} : memref<64x128xf32, #tpu.memory_space<vmem>>, vector<1x16xf32>,
        %get3A_210 = arith.index_cast %scan3A_128 : i32 to index
        %get3A_211 = arith.constant 96 : index
        %get3A_212 = tpu.vector_load %arg10[%get3A_210, %get3A_211] {strides = array<i32>} : memref<64x128xf32, #tpu.memory_space<vmem>>, vector<1x16xf32>,
        %get3A_213 = vector.shape_cast %get3A_212 : vector<1x16xf32> to vector<16xf32>
        %get3A_214 = arith.index_cast %scan3A_128 : i32 to index
        %get3A_215 = arith.constant 96 : index
        %get3A_216 = tpu.vector_load %arg12[%get3A_214, %get3A_215] {strides = array<i32>} : memref<64x128xf32, #tpu.memory_space<vmem>>, vector<1x16xf32>,
        %get3A_217 = vector.shape_cast %get3A_216 : vector<1x16xf32> to vector<16xf32>
        %min3A_218 = arith.minimumf %get3A_213, %get3A_217 : vector<16xf32>
        %swap3A_219 = arith.index_cast %scan3A_128 : i32 to index
        %swap3A_220 = arith.constant 96 : index
        %swap3A_221 = tpu.vector_load %arg14[%swap3A_219, %swap3A_220] {strides = array<i32>} : memref<64x128xf32, #tpu.memory_space<vmem>>, vector<1x16xf32>,
        %swap3A_222 = vector.shape_cast %swap3A_221 : vector<1x16xf32> to vector<16xf32>
        %swap3A_223 = vector.shape_cast %min3A_218 : vector<16xf32> to vector<1x16xf32>
        tpu.vector_store %arg14[%swap3A_219, %swap3A_220], %swap3A_223 {strides = array<i32>} : memref<64x128xf32, #tpu.memory_space<vmem>>, vector<1x16xf32>,
        %get3A_224 = arith.index_cast %scan3A_128 : i32 to index
        %get3A_225 = arith.constant 112 : index
        %get3A_226 = tpu.vector_load %arg10[%get3A_224, %get3A_225] {strides = array<i32>} : memref<64x128xf32, #tpu.memory_space<vmem>>, vector<1x16xf32>,
        %get3A_227 = vector.shape_cast %get3A_226 : vector<1x16xf32> to vector<16xf32>
        %get3A_228 = arith.index_cast %scan3A_128 : i32 to index
        %get3A_229 = arith.constant 112 : index
        %get3A_230 = tpu.vector_load %arg12[%get3A_228, %get3A_229] {strides = array<i32>} : memref<64x128xf32, #tpu.memory_space<vmem>>, vector<1x16xf32>,
        %get3A_231 = vector.shape_cast %get3A_230 : vector<1x16xf32> to vector<16xf32>
        %min3A_232 = arith.minimumf %get3A_227, %get3A_231 : vector<16xf32>
        %swap3A_233 = arith.index_cast %scan3A_128 : i32 to index
        %swap3A_234 = arith.constant 112 : index
        %swap3A_235 = tpu.vector_load %arg14[%swap3A_233, %swap3A_234] {strides = array<i32>} : memref<64x128xf32, #tpu.memory_space<vmem>>, vector<1x16xf32>,
        %swap3A_236 = vector.shape_cast %swap3A_235 : vector<1x16xf32> to vector<16xf32>
        %swap3A_237 = vector.shape_cast %min3A_232 : vector<16xf32> to vector<1x16xf32>
        tpu.vector_store %arg14[%swap3A_233, %swap3A_234], %swap3A_237 {strides = array<i32>} : memref<64x128xf32, #tpu.memory_space<vmem>>, vector<1x16xf32>,
      }
      %scan3A_120 = arith.constant 64 : i32
      %add3A_121 = arith.constant 4992 : i32
      %add3A_122 = arith.addi %add3A_121, %add3A : i32
      %mul3A_123 = arith.constant 64 : i32
      %mul3A_124 = arith.muli %add3A_122, %mul3A_123 : i32
      %dma_start3A = arith.constant 0 : i32
      %dma_start3A_125 = tpu.memref_slice %arg5[%mul3A_124, %dma_start3A] : memref<320000x128xf32, #tpu.memory_space<hbm>> -> memref<64x128xf32, #tpu.memory_space<hbm>>
      %dma_start3A_126 = arith.constant 0 : i32
      %dma_start3A_127 = tpu.memref_slice %arg5[%mul3A_124, %dma_start3A_126] : memref<320000x128xf32, #tpu.memory_space<hbm>> -> memref<64x128xf32, #tpu.memory_space<hbm>>
      tpu.enqueue_dma source(%arg14 : memref<64x128xf32, #tpu.memory_space<vmem>>) target(%dma_start3A_127 : memref<64x128xf32, #tpu.memory_space<hbm>>) target_semaphore(%arg23 : memref<!tpu.dma_semaphore, #tpu.memory_space<semaphore_mem>>)
    } else {
    }
    %add3A_101 = arith.constant 4960 : i32
    %add3A_102 = arith.addi %add3A_101, %add3A : i32
    %lt3A_103 = arith.constant 5000 : i32
    %lt3A_104 = arith.cmpi slt, %add3A_102, %lt3A_103 : i32
    %convert_element_type3A_105 = arith.extui %lt3A_104 : i1 to i32
    %cond3A_106 = arith.constant 0 : i32
    %cond3A_107 = arith.cmpi ne, %convert_element_type3A_105, %cond3A_106 : i32
    scf.if %cond3A_107 {
      %dma_wait3A = arith.constant 0 : i32
      %dma_wait3A_115 = arith.constant 0 : i32
      %dma_wait3A_116 = tpu.memref_slice %arg5[%dma_wait3A, %dma_wait3A_115] : memref<320000x128xf32, #tpu.memory_space<hbm>> -> memref<64x128xf32, #tpu.memory_space<hbm>>
      %dma_wait3A_117 = arith.constant 0 : i32
      %dma_wait3A_118 = arith.constant 0 : i32
      %dma_wait3A_119 = tpu.memref_slice %arg5[%dma_wait3A_117, %dma_wait3A_118] : memref<320000x128xf32, #tpu.memory_space<hbm>> -> memref<64x128xf32, #tpu.memory_space<hbm>>
      tpu.wait_dma2 semaphore(%arg24 : memref<!tpu.dma_semaphore, #tpu.memory_space<semaphore_mem>>) src(%arg15 : memref<64x128xf32, #tpu.memory_space<vmem>>) dst(%dma_wait3A_119 : memref<64x128xf32, #tpu.memory_space<hbm>>)
    } else {
    }
    %add3A_108 = arith.constant 4992 : i32
    %add3A_109 = arith.addi %add3A_108, %add3A : i32
    %lt3A_110 = arith.constant 5000 : i32
    %lt3A_111 = arith.cmpi slt, %add3A_109, %lt3A_110 : i32
    %convert_element_type3A_112 = arith.extui %lt3A_111 : i1 to i32
    %cond3A_113 = arith.constant 0 : i32
    %cond3A_114 = arith.cmpi ne, %convert_element_type3A_112, %cond3A_113 : i32
    scf.if %cond3A_114 {
      %dma_wait3A = arith.constant 0 : i32
      %dma_wait3A_115 = arith.constant 0 : i32
      %dma_wait3A_116 = tpu.memref_slice %arg5[%dma_wait3A, %dma_wait3A_115] : memref<320000x128xf32, #tpu.memory_space<hbm>> -> memref<64x128xf32, #tpu.memory_space<hbm>>
      %dma_wait3A_117 = arith.constant 0 : i32
      %dma_wait3A_118 = arith.constant 0 : i32
      %dma_wait3A_119 = tpu.memref_slice %arg5[%dma_wait3A_117, %dma_wait3A_118] : memref<320000x128xf32, #tpu.memory_space<hbm>> -> memref<64x128xf32, #tpu.memory_space<hbm>>
      tpu.wait_dma2 semaphore(%arg23 : memref<!tpu.dma_semaphore, #tpu.memory_space<semaphore_mem>>) src(%arg14 : memref<64x128xf32, #tpu.memory_space<vmem>>) dst(%dma_wait3A_119 : memref<64x128xf32, #tpu.memory_space<hbm>>)
    } else {
    }
    return
  }
}

module attributes {stable_mosaic.version = 14 : i64} {
  func.func @_mu_body(%arg0: i32, %arg1: memref<1000x128xf32, #tpu.memory_space<vmem>>, %arg2: memref<1000x128xf32, #tpu.memory_space<vmem>>) attributes {dimension_semantics = [#tpu.dimension_semantics<arbitrary>], iteration_bounds = array<i64: 10>, scalar_prefetch = 0 : i64, scratch_operands = 0 : i64, tpu.core_type = #tpu.core_type<tc>, window_params = [{transform_indices = @transform_0, window_bounds = array<i64: 1000, 128>}, {transform_indices = @transform_1, window_bounds = array<i64: 1000, 128>}]} {
    %get3A = arith.constant 0 : index
    %get3A_0 = arith.constant 0 : index
    %get3A_1 = vector.load %arg1[%get3A, %get3A_0] : memref<1000x128xf32, #tpu.memory_space<vmem>>, vector<1000x128xf32>
    %mul3A = arith.constant -5.000000e-01 : f32
    %mul3A_2 = vector.broadcast %mul3A : f32 to vector<1000x128xf32>
    %mul3A_3 = arith.mulf %mul3A_2, %get3A_1 : vector<1000x128xf32>
    %mul3A_4 = arith.mulf %mul3A_3, %get3A_1 : vector<1000x128xf32>
    %exp3A = math.exp %mul3A_4 : vector<1000x128xf32>
    %swap3A = arith.constant 0 : index
    %swap3A_5 = arith.constant 0 : index
    %swap3A_6 = vector.load %arg2[%swap3A, %swap3A_5] : memref<1000x128xf32, #tpu.memory_space<vmem>>, vector<1000x128xf32>
    tpu.vector_store %arg2[%swap3A, %swap3A_5], %exp3A {strides = array<i32>} : memref<1000x128xf32, #tpu.memory_space<vmem>>, vector<1000x128xf32>,
    return
  }
  func.func @transform_0(%arg0: i32) -> (i32, i32) {
    %c0_i32 = arith.constant 0 : i32
    %c0_i32_0 = arith.constant 0 : i32
    return %arg0, %c0_i32 : i32, i32
  }
  func.func @transform_1(%arg0: i32) -> (i32, i32) {
    %c0_i32 = arith.constant 0 : i32
    %c0_i32_0 = arith.constant 0 : i32
    return %arg0, %c0_i32 : i32, i32
  }
}

</mosaic_0001>

<sc_bundles>
// kernel: kernel.4.cloned.1.call-start
scs
__scs_entry_jumppad:
0x0: {  	(pc) =	sbr.rel $0x88, $3  }
0x1: {  	(tag) =	ssettag $0x0;
	lr =	simm.s32 $0x1  }
0x2: {  	[smem:$0x3F9F] =	sst lr;
	_ =	strace $0xD0000000  }
0x3: {  	_ = 	snop  }
0x4: {  	_ = 	snop  }
0x5: {  	_ = 	snop  }
0x6: {  	_ = 	snop  }
0x7: {  	_ = 	snop  }
__scs_overlays_trampoline_lowered:
0x8: {  	[smem:$0x3FAE] =	sst s0  }
0x9: {  	[smem:$0x3FAF] =	sst s1  }
0xa: {  	[smem:$0x3FB0] =	sst s2  }
0xb: {  	[smem:$0x3FB1] =	sst s3  }
0xc: {  	[smem:$0x3FB2] =	sst s4  }
0xd: {  	[smem:$0x3FB3] =	sst s5  }
0xe: {  	[smem:$0x3FB4] =	sst s6  }
0xf: {  	[smem:$0x3FB5] =	sst s7  }
0x10: {  	[smem:$0x3FB6] =	sst s8  }
0x11: {  	[smem:$0x3FB7] =	sst s9;
	s0 =	simm.s32 @!p0 $0x0  }
0x12: {  	s1 =	sld [smem:$0x3F9D];
	s0 =	simm.s32 @p0 $0x1  }
0x13: {  	[smem:$0x3FB8] =	sst s0;
	s0 =	simm.s32 @!p1 $0x0  }
0x14: {  	s2 =	sld [smem:$0x3F9C];
	s0 =	simm.s32 @p1 $0x1  }
0x15: {  	[smem:$0x3FB9] =	sst s0;
	s0 =	simm.s32 @!p2 $0x0  }
0x16: {  	s3 =	sld [smem:$0x3FDB];
	s0 =	simm.s32 @p2 $0x1  }
0x17: {  	s4 =	simm.s32 $0x1BF5;
	[smem:$0x3FBB] =	sst s0  }
0x18: {  	s0 =	sld [smem:$0x3F9E];
	_ =	swait.ge [sflag:s4], $0x0  }
0x19: {  	s7 =	sld [smem:$0x3F9F]  }
0x1a: {  	s8 =	sadd.s32 $0xFFFFE003, lr  }
0x1b: {  	s9 =	sadd.s32 $0xFFFFFEF7, lr;
	s5 =	simm.s32 $0xFFFFFFFF;
	p2 =	slt.u32 s8, $0xFFFFF086  }
0x1c: {  	p1 =	slt.u32 s9, $0xF7A;
	s5 =	simm.s32 @!p2 $0x0  }
0x1d: {  	s5 =	simm.s32 @p1 $0x1;
	p0 =	seq.s32 s7, s2  }
0x1e: {  	s7 =	smul.u32 @!p0 $0xF7A, s2;
	p2 =	seq.s32 @!p0 s5, $0x0  }
0x1f: {  	s9 =	smul.u32 $0xF7A, s1;
	s8 =	simm.s32 @!p0 $0x1BF5;
	p2 =	por !p2, p0  }
0x20: {  	[sflag:s8] =	ssyncset.s32 @!p0 $0xFFFFF086;
	s6 =	sadd.s32 @!p0 s3, s7;
	s7 =	simm.s32 @!p0 $0x108  }
0x21: {  	s3 =	sadd.s32 s3, s9;
	s6 =	sadd.s32 @!p0 $0x88, s6;
	s7 =	simm.s32 @p2 $0x1082  }
0x22: {  	[simem:s7], [sflag:s8] =	dma.local @!p0 [hbm:s6], $0xF7A  }
0x23: {  	s9 =	sor.u32 $0xD0000000, s2;
	s6 =	simm.s32 $0x108;
	_ =	swait.ge @!p0 [sflag:s8], $0x0  }
0x24: {  	s3 =	sadd.s32 $0x88, s3;
	s6 =	simm.s32 @!p1 $0x1082;
	[sflag:s4] =	ssyncset.s32 $0xFFFFF086  }
0x25: {  	[simem:s6], [sflag:s4] =	dma.local [hbm:s3], $0xF7A  }
0x26: {  	[smem:$0x3F9F] =	sst s1;
	(tag) =	ssettag s2;
	_ =	strace s9  }
0x27: {  	s1 =	sld [smem:$0x3FAF]  }
0x28: {  	s2 =	sld [smem:$0x3FB0]  }
0x29: {  	s4 =	sld [smem:$0x3FB2]  }
0x2a: {  	p0 =	seq.s32 s5, $0x0;
	s5 =	sld [smem:$0x3FB3]  }
0x2b: {  	s6 =	sld [smem:$0x3FB4]  }
0x2c: {  	s7 =	sld [smem:$0x3FB5]  }
0x2d: {  	s3 =	simm.s32 $0x108;
	s8 =	sld [smem:$0x3FB6]  }
0x2e: {  	s3 =	simm.s32 @!p0 $0x1082;
	s9 =	sld [smem:$0x3FB7]  }
0x2f: {  	lr =	sadd.s32 s0, s3;
	s0 =	sld [smem:$0x3FAE]  }
0x30: {  	s3 =	sld [smem:$0x3FB1]  }
0x31: {  	[smem:$0x3FBA] =	sst s10  }
0x32: {  	s10 =	sld [smem:$0x3FB8];
	_ =	sdelay $0x3  }
0x33: {  	p0 =	seq.s32 s10, $0x1;
	s10 =	sld [smem:$0x3FBA];
	_ =	sdelay $0x3  }
0x34: {  	[smem:$0x3FBA] =	sst s10  }
0x35: {  	s10 =	sld [smem:$0x3FB9];
	_ =	sdelay $0x3  }
0x36: {  	p1 =	seq.s32 s10, $0x1;
	s10 =	sld [smem:$0x3FBA];
	_ =	sdelay $0x3  }
0x37: {  	[smem:$0x3FBA] =	sst s10  }
0x38: {  	s10 =	sld [smem:$0x3FBB]  }
0x39: {  	_ = 	snop;
	(pc) =	sbr.ind lr, $3  }
0x3a: {  	_ = 	snop  }
0x3b: {  	_ = 	snop  }
0x3c: {  	p2 =	seq.s32 s10, $0x1;
	s10 =	sld [smem:$0x3FBA]  }
0x3d: {  	_ =	shalt  }
0x3e: {  	_ =	shalt  }
0x3f: {  	_ =	shalt  }
0x40: {  	_ =	shalt  }
0x41: {  	_ =	shalt  }
0x42: {  	_ =	shalt  }
0x43: {  	_ =	shalt  }
0x44: {  	_ =	shalt  }
0x45: {  	_ =	shalt  }
0x46: {  	_ =	shalt  }
0x47: {  	_ =	shalt  }
0x48: {  	_ =	shalt  }
0x49: {  	_ =	shalt  }
0x4a: {  	_ =	shalt  }
0x4b: {  	_ =	shalt  }
0x4c: {  	_ =	shalt  }
0x4d: {  	_ =	shalt  }
0x4e: {  	_ =	shalt  }
0x4f: {  	_ =	shalt  }
0x50: {  	_ =	shalt  }
0x51: {  	_ =	shalt  }
0x52: {  	_ =	shalt  }
0x53: {  	_ =	shalt  }
0x54: {  	_ =	shalt  }
0x55: {  	_ =	shalt  }
0x56: {  	_ =	shalt  }
0x57: {  	_ =	shalt  }
0x58: {  	_ =	shalt  }
0x59: {  	_ =	shalt  }
0x5a: {  	_ =	shalt  }
0x5b: {  	_ =	shalt  }
0x5c: {  	_ =	shalt  }
0x5d: {  	_ =	shalt  }
0x5e: {  	_ =	shalt  }
0x5f: {  	_ =	shalt  }
0x60: {  	_ =	shalt  }
0x61: {  	_ =	shalt  }
0x62: {  	_ =	shalt  }
0x63: {  	_ =	shalt  }
0x64: {  	_ =	shalt  }
0x65: {  	_ =	shalt  }
0x66: {  	_ =	shalt  }
0x67: {  	_ =	shalt  }
0x68: {  	_ =	shalt  }
0x69: {  	_ =	shalt  }
0x6a: {  	_ =	shalt  }
0x6b: {  	_ =	shalt  }
0x6c: {  	_ =	shalt  }
0x6d: {  	_ =	shalt  }
0x6e: {  	_ =	shalt  }
0x6f: {  	_ =	shalt  }
0x70: {  	_ =	shalt  }
0x71: {  	_ =	shalt  }
0x72: {  	_ =	shalt  }
0x73: {  	_ =	shalt  }
0x74: {  	_ =	shalt  }
0x75: {  	_ =	shalt  }
0x76: {  	_ =	shalt  }
0x77: {  	_ =	shalt  }
0x78: {  	_ =	shalt  }
0x79: {  	_ =	shalt  }
0x7a: {  	_ =	shalt  }
0x7b: {  	_ =	shalt  }
0x7c: {  	_ =	shalt  }
0x7d: {  	_ =	shalt  }
0x7e: {  	_ =	shalt  }
0x7f: {  	_ =	shalt  }
0x80: {  	_ =	shalt  }
0x81: {  	_ =	shalt  }
0x82: {  	_ =	shalt  }
0x83: {  	_ =	shalt  }
0x84: {  	_ =	shalt  }
0x85: {  	_ =	shalt  }
0x86: {  	_ =	shalt  }
0x87: {  	_ =	shalt  }
.Lfunc_end0:
.L_simem_size_0:
called_computation_lowered:
.L_overlay_start_0:
0x88: {  	s2 =	sld [smem:$0x3FD9]  }
0x89: {  	s3 =	sld [smem:$0x3FFE];
	_ =	sdelay $0x1  }
0x8a: {  	s1 =	srdreg.scid  }
0x8b: {  	s0 =	sand.u32 $0x1, s1  }
0x8c: {  	s17 =	sshll.u32 s0, $0xA;
	s2 =	sadd.s32 s3, s2  }
0x8d: {  	s2 =	sadd.s32 s2, s17  }
0x8e: {  	[smem:$0x3FC6] =	sst s2  }
0x8f: {  	_ = 	snop  }
0x90: {  	s2 =	sld [smem:$0x3FD0];
	(tm) =	ssettm $0x1  }
0x91: {  	s18 =	sld [smem:$0x3FFB];
	_ =	sdelay $0x3  }
0x92: {  	_ =	strace s18  }
0x93: {  	s3 =	sld [smem:$0x3FFC];
	_ =	sdelay $0x3  }
0x94: {  	_ =	strace s3  }
0x95: {  	s3 =	sld [smem:$0x3FFD];
	_ =	sdelay $0x3  }
0x96: {  	_ =	strace s3  }
0x97: {  	_ =	strace $0x8FFFFFFF  }
0x98: {  	s19 =	sld [smem:$0x3FDB];
	_ =	sdelay $0x1  }
0x99: {  	s4 =	simm.s32 $_scs_section_size  }
0x9a: {  	s5 =	simm.s32 $_size__tile_overlayer_lowered;
	s6 =	simm.s32 $_tile_overlayer_lowered  }
0x9b: {  	s22 =	simm.s32 $0x1BFF;
	s21 =	sshll.u32 s6, $0x1;
	s3 =	sadd.s32 s4, s19  }
0x9c: {  	s7 =	simm.s32 $0x0;
	s20 =	sshll.u32 s5, $0x1;
	s5 =	sadd.s32 s21, s3  }
0x9d: {  	[timem:s7], [sflag:s22] =	dma.local [hbm:s5], s20  }
0x9e: {  	_ =	swait.ge [sflag:s22], s20  }
0x9f: {  	s4 =	ssub.s32 $0x0, s20;
	[sflag:s22] =	ssyncset.done $0x0  }
0xa0: {  	[sflag:s22] =	ssyncadd.s32 s4;
	_ =	sdelay $0x1  }
0xa1: {  	s23 =	simm.s32 $0x1B8B  }
0xa2: {  	_ =	swait.ge [sflag:s23], $0x1  }
0xa3: {  	[sflag:s23] =	ssyncset.done $0x0  }
0xa4: {  	s25 =	simm.s32 $0x1B8E;
	s24 =	sld [smem:$0x3FFE];
	[sflag:s23] =	ssyncadd.s32 $0xFFFFFFFF  }
0xa5: {  	s26 =	simm.s32 $execute0_lowered;
	[smem:$0x3FD2] =	sst s25  }
0xa6: {  	s5 =	sshll.u32 s26, $0x1;
	_ =	strace $0x80000046;
	[dreg:$0x1] =	wrdreg $0xFFFFFFFF  }
0xa7: {  	s28 =	simm.s32 $_size_execute0_lowered;
	s3 =	sadd.s32 s3, s5;
	[dreg:$0x0] =	wrdreg $0x0  }
0xa8: {  	s5 =	sshll.u32 s28, $0x1;
	[dreg:$0x2] =	wrdreg s3  }
0xa9: {  	[dreg:$0x3] =	wrdreg s5  }
0xaa: {  	[dreg:$0x4] =	wrdreg $0xC0  }
0xab: {  	_ =	task [dreg:s7], $0x5FFFF  }
0xac: {  	[dreg:$0x1] =	wrdreg $0xFFFFFFFF  }
0xad: {  	[dreg:$0x0] =	wrdreg $0x60  }
0xae: {  	[dreg:$0x2] =	wrdreg s24  }
0xaf: {  	[dreg:$0x3] =	wrdreg s2  }
0xb0: {  	[dreg:$0x4] =	wrdreg $0xC2000  }
0xb1: {  	[dreg:$0x5] =	wrdreg $0x9  }
0xb2: {  	_ =	task.clear_ibuf [dreg:s7], $0x6FFFF;
	_ =	strace $0x90000046  }
0xb3: {  	s29 =	simm.s32 $0x9;
	_ =	strace $0x80000048  }
0xb4: {  	_ =	swait.ge [sflag:s29], $0x1  }
0xb5: {  	[sflag:s29] =	ssyncadd.s32 $0xFFFFFFFF  }
0xb6: {  	_ =	strace $0x90000048  }
0xb7: {  	_ =	sfence  }
0xb8: {  	s30 =	sld [smem:$0x0];
	_ =	sdelay $0x2  }
0xb9: {  	s31 =	sshll.u32 s1, $0xD;
	s1 =	sshrl.u32 s1, $0x2  }
0xba: {  	s3 =	sand.u32 $0x4000, s31;
	s1 =	sadd.s32 s1, s30  }
0xbb: {  	s0 =	sor.u32 s3, s0;
	s1 =	sshll.u32 s1, $0x11  }
0xbc: {  	s0 =	sor.u32 s1, s0  }
0xbd: {  	s0 =	sadd.s32 $0x8F2B, s0  }
0xbe: {  	[sflag:s0] =	ssyncadd.remote.s32 $0x1  }
0xbf: {  	_ =	sfence.sel $0xFFFF  }
0xc0: {  	[dreg:$0x0] =	wrdreg $0xFFFFFFFF;
	(pc) =	sbr.abs _section_cstart, $3  }
0xc1: {  	[dreg:$0x1] =	wrdreg $0xFFFFFFFF  }
0xc2: {  	_ =	task.clear_ibuf [dreg:s7], $0x2FFFF;
	_ =	strace $0x9FFFFFFF  }
0xc3: {  	(tm) =	ssettm $0x7FFFFFFF  }
tec
execute0_lowered:
.L_overlay_start_1:
0x0: {  	(tag) =	ssettag $0x1  }
0x1: {  	s4 =	rddreg [dreg:$0x0]  }
0x2: {  	s0 =	srdreg.scid;
	s1 =	rddreg [dreg:$0x1]  }
0x3: {  	s19 =	stileid.u32;
	s2 =	rddreg [dreg:$0x2]  }
0x4: {  	s3 =	simm.s32 $0x0;
	s28 =	simm.s32 $0x6;
	s29 =	simm.s32 $0xA200  }
0x5: {  	s30 =	simm.s32 $0x8;
	s5 =	sand.u32 $0x1, s0;
	s6 =	smul.u32 $0x270, s19  }
0x6: {  	s8 =	smul.u32 $0x2700, s19;
	[smem:$0x7FF] =	sst s3;
	s9 =	sadd.s32 $0x27A00, s4  }
0x7: {  	s22 =	smul.u32 $0x4E000, s19;
	p0 =	sgt.u32 s19, $0x3;
	s0 =	ssub.s32 $0x2, s5  }
0x8: {  	s7 =	sshrl.u32 s0, $0x1;
	s23 =	sadd.s32 s9, s8;
	s24 =	sadd.s32 $0x40, s6  }
0x9: {  	s8 =	sadd.s32 $0x80, s6;
	s12 =	sadd.s32 $0xC0, s6;
	s31 =	sadd.s32 $0x100, s6  }
0xa: {  	s18 =	sadd.s32 $0x180, s6;
	s0 =	ssub.s32 s0, s7;
	[dreg:$0x4] =	wrdreg s23  }
0xb: {  	s10 =	sshll.u32 s24, $0x4;
	s11 =	sshll.u32 s8, $0x4;
	s26 =	sshll.u32 s12, $0x4  }
0xc: {  	s13 =	sshll.u32 s31, $0x4;
	s17 =	sshll.u32 s18, $0x4;
	s23 =	sshrl.u32 s22, $0x2  }
0xd: {  	s7 =	sshll.u32 s24, $0x7;
	s31 =	sshll.u32 s31, $0x7;
	s10 =	sadd.s32 s9, s10  }
0xe: {  	s25 =	sadd.s32 s9, s11;
	s11 =	sadd.s32 $0x140, s6;
	s13 =	sadd.s32 s9, s13  }
0xf: {  	s24 =	sadd.s32 s7, s2;
	s7 =	sadd.s32 s31, s2;
	[dreg:$0x5] =	wrdreg s10  }
0x10: {  	s0 =	smax.u32 s0, $0x1;
	[dreg:$0x6] =	wrdreg s25;
	s10 =	sadd.s32 s9, s26  }
0x11: {  	s14 =	sshll.u32 s11, $0x4;
	[dreg:$0x8] =	wrdreg s13;
	s13 =	sadd.s32 s9, s17  }
0x12: {  	s25 =	sshll.u32 s8, $0x7;
	s26 =	sshll.u32 s12, $0x7;
	[dreg:$0x7] =	wrdreg s10  }
0x13: {  	s8 =	sshll.u32 s11, $0x7;
	s16 =	sadd.s32 s9, s14;
	[dreg:$0xa] =	wrdreg s13  }
0x14: {  	s13 =	sadd.s32 $0x1C0, s6;
	s14 =	sadd.s32 $0x200, s6;
	s6 =	sadd.s32 $0x240, s6  }
0x15: {  	s10 =	sshll.u32 s18, $0x7;
	[dreg:$0x9] =	wrdreg s16;
	s15 =	sshll.u32 s13, $0x4  }
0x16: {  	s16 =	sshll.u32 s14, $0x4;
	s21 =	sshll.u32 s6, $0x4;
	s15 =	sadd.s32 s9, s15  }
0x17: {  	s11 =	sshll.u32 s13, $0x7;
	s20 =	sadd.s32 s9, s16;
	[dreg:$0xb] =	wrdreg s15  }
0x18: {  	s9 =	sadd.s32 s9, s21;
	s16 =	sadd.s32 $0x600, s4;
	[dreg:$0xc] =	wrdreg s20  }
0x19: {  	[dreg:$0xd] =	wrdreg s9;
	s15 =	sadd.s32 $0x14000, s4;
	s4 =	sadd.s32 s23, s2  }
0x1a: {  	s12 =	sadd.s32 s10, s2;
	_ =	strace $0x80000047;
	[dreg:$0xe] =	wrdreg s4  }
0x1b: {  	s14 =	sshll.u32 s14, $0x7;
	s6 =	sshll.u32 s6, $0x7;
	[dreg:$0xf] =	wrdreg s24  }
0x1c: {  	s13 =	sadd.s32 s11, s2;
	s21 =	sadd.s32 s6, s2;
	[dreg:$0x12] =	wrdreg s7  }
0x1d: {  	s9 =	sshll.u32 s19, $0x1;
	s20 =	sshll.u32 s19, $0x5;
	[dreg:$0x14] =	wrdreg s12  }
0x1e: {  	s19 =	simm.s32 $0x2;
	s17 =	sor.u32 s5, s9;
	[dreg:$0x15] =	wrdreg s13  }
0x1f: {  	s4 =	sadd.s32 s25, s2;
	s5 =	sadd.s32 s26, s2;
	[dreg:$0x17] =	wrdreg s21  }
0x20: {  	s7 =	sand.u32 $0x180, s20;
	[dreg:$0x1d] =	wrdreg s0;
	s12 =	simm.s32 $0x80  }
0x21: {  	s13 =	simm.s32 $0x180;
	s20 =	simm.s32 $0x2200;
	[dreg:$0x10] =	wrdreg s4  }
0x22: {  	s21 =	simm.s32 $0x6200;
	[dreg:$0x11] =	wrdreg s5;
	s4 =	sadd.s32 s8, s2  }
0x23: {  	s18 =	sshll.u32 s17, $0x4;
	s24 =	sshll.u32 s17, $0xA;
	s8 =	simm.s32 $0x0  }
0x24: {  	[dreg:$0x13] =	wrdreg s4;
	s26 =	sand.u32 $0x70, s18;
	s4 =	sadd.s32 s14, s2  }
0x25: {  	s23 =	sadd.s32 s15, s18;
	s5 =	sadd.s32 s16, s18;
	[dreg:$0x16] =	wrdreg s4  }
0x26: {  	s31 =	sadd.s32 s24, s1;
	s6 =	sor.u32 $0x8000, s24;
	[dreg:$0x18] =	wrdreg s23  }
0x27: {  	s18 =	simm.s32 $0x40;
	s22 =	sor.u32 s26, s7;
	[dreg:$0x19] =	wrdreg s5  }
.Ltmp0:
0x28: {  	s5 =	sadd.s32 $0x4E0000, s31;
	s4 =	sor.u32 $0x200, s22;
	(pc) =	sbr.rel .LBB2_1-.Ltmp0, $4  }
0x29: {  	s24 =	simm.s32 $0x8200;
	[dreg:$0x1c] =	wrdreg s5;
	s25 =	sadd.s32 s15, s4  }
0x2a: {  	s7 =	sor.u32 $0x60, s17;
	s4 =	sadd.s32 s16, s4;
	[dreg:$0x1a] =	wrdreg s25  }
0x2b: {  	s23 =	simm.s32 $0x5;
	s22 =	simm.s32 $0x3;
	[dreg:$0x1b] =	wrdreg s4  }
0x2c: {  	s4 =	ssub.s32 $0x1388, s9;
	s9 =	simm.s32 $0x9;
	s25 =	simm.s32 $0x4  }
.LBB2_8:
0x2d: {  	s0 =	simm.s32 $0x8;
	s5 =	simm.s32 $0x7;
	s8 =	rddreg [dreg:$0x1e]  }
.LBB2_12:
0x2e: {  	_ =	swait.ge [sflag:s5], $0x2000  }
0x2f: {  	[sflag:s5] =	ssyncset.done $0x0  }
0x30: {  	[sflag:s5] =	ssyncadd.s32 $0xFFFFE000  }
0x31: {  	_ =	swait.ge [sflag:s0], $0x2000  }
0x32: {  	s8 =	sadd.s32 $0x1, s8;
	s31 =	rddreg [dreg:$0x1d]  }
0x33: {  	p1 =	sne.s32 s8, s31  }
.Ltmp1:
0x34: {  	_ = 	snop;
	(pc) =	sbr.rel @!p1 .LBB2_13-.Ltmp1, $3  }
0x35: {  	_ =	sdelay $0x1  }
0x36: {  	[sflag:s0] =	ssyncset.done $0x0  }
0x37: {  	[sflag:s0] =	ssyncadd.s32 $0xFFFFE000  }
.LBB2_1:
0x38: {  	[dreg:$0x1e] =	wrdreg s8  }
0x39: {  	s0 =	rddreg [dreg:$0x4];
	s5 =	simm.s32 $0x200  }
0x3a: {  	[tilespmem:s5], [sflag:$0x9] =	stream.linear.gather [hbm4b:s0+s3], $0x2000, $0x38;
	[tilespmem:$0x1FA80] =	vst v63  }
0x3b: {  	_ =	swait.ge [sflag:s9], $0x2000  }
0x3c: {  	[sflag:s9] =	ssyncset.done $0x0  }
0x3d: {  	s31 =	rddreg [dreg:$0xe];
	[sflag:s9] =	ssyncadd.s32 $0xFFFFE000  }
0x3e: {  	[spmem:s31] =	stream.linear.scatter [tilespmem:s5], [sflag:$0x9], $0x2000, $0x38;
	[tilespmem:$0x1FA80] =	vst v63  }
0x3f: {  	_ =	swait.ge [sflag:s9], $0x2000  }
0x40: {  	[sflag:s9] =	ssyncset.done $0x0  }
0x41: {  	s8 =	rddreg [dreg:$0x5];
	[sflag:s9] =	ssyncadd.s32 $0xFFFFE000  }
0x42: {  	[tilespmem:s5], [sflag:$0x9] =	stream.linear.gather [hbm4b:s8+s3], $0x2000, $0x38;
	[tilespmem:$0x1FA80] =	vst v63  }
0x43: {  	_ =	swait.ge [sflag:s9], $0x2000  }
0x44: {  	[sflag:s9] =	ssyncset.done $0x0  }
0x45: {  	s10 =	rddreg [dreg:$0xf];
	[sflag:s9] =	ssyncadd.s32 $0xFFFFE000  }
0x46: {  	[spmem:s10] =	stream.linear.scatter [tilespmem:s5], [sflag:$0x9], $0x2000, $0x38;
	[tilespmem:$0x1FA80] =	vst v63  }
0x47: {  	_ =	swait.ge [sflag:s9], $0x2000  }
0x48: {  	[sflag:s9] =	ssyncset.done $0x0  }
0x49: {  	s11 =	rddreg [dreg:$0x6];
	[sflag:s9] =	ssyncadd.s32 $0xFFFFE000  }
0x4a: {  	[tilespmem:s5], [sflag:$0x9] =	stream.linear.gather [hbm4b:s11+s3], $0x2000, $0x38;
	[tilespmem:$0x1FA80] =	vst v63  }
0x4b: {  	_ =	swait.ge [sflag:s9], $0x2000  }
0x4c: {  	[sflag:s9] =	ssyncset.done $0x0  }
0x4d: {  	s14 =	rddreg [dreg:$0x10];
	[sflag:s9] =	ssyncadd.s32 $0xFFFFE000  }
0x4e: {  	[spmem:s14] =	stream.linear.scatter [tilespmem:s5], [sflag:$0x9], $0x2000, $0x38;
	[tilespmem:$0x1FA80] =	vst v63  }
0x4f: {  	_ =	swait.ge [sflag:s9], $0x2000  }
0x50: {  	[sflag:s9] =	ssyncset.done $0x0  }
0x51: {  	s31 =	rddreg [dreg:$0x7];
	[sflag:s9] =	ssyncadd.s32 $0xFFFFE000  }
0x52: {  	[tilespmem:s5], [sflag:$0x9] =	stream.linear.gather [hbm4b:s31+s3], $0x2000, $0x38;
	[tilespmem:$0x1FA80] =	vst v63  }
0x53: {  	_ =	swait.ge [sflag:s9], $0x2000  }
0x54: {  	[sflag:s9] =	ssyncset.done $0x0  }
0x55: {  	s8 =	rddreg [dreg:$0x11];
	[sflag:s9] =	ssyncadd.s32 $0xFFFFE000  }
0x56: {  	[spmem:s8] =	stream.linear.scatter [tilespmem:s5], [sflag:$0x9], $0x2000, $0x38;
	[tilespmem:$0x1FA80] =	vst v63  }
0x57: {  	_ =	swait.ge [sflag:s9], $0x2000  }
0x58: {  	[sflag:s9] =	ssyncset.done $0x0  }
0x59: {  	s10 =	rddreg [dreg:$0x8];
	[sflag:s9] =	ssyncadd.s32 $0xFFFFE000  }
0x5a: {  	[tilespmem:s5], [sflag:$0x9] =	stream.linear.gather [hbm4b:s10+s3], $0x2000, $0x38;
	[tilespmem:$0x1FA80] =	vst v63  }
0x5b: {  	_ =	swait.ge [sflag:s9], $0x2000  }
0x5c: {  	[sflag:s9] =	ssyncset.done $0x0  }
0x5d: {  	s11 =	rddreg [dreg:$0x12];
	[sflag:s9] =	ssyncadd.s32 $0xFFFFE000  }
0x5e: {  	[spmem:s11] =	stream.linear.scatter [tilespmem:s5], [sflag:$0x9], $0x2000, $0x38;
	[tilespmem:$0x1FA80] =	vst v63  }
0x5f: {  	_ =	swait.ge [sflag:s9], $0x2000  }
0x60: {  	[sflag:s9] =	ssyncset.done $0x0  }
0x61: {  	s14 =	rddreg [dreg:$0x9];
	[sflag:s9] =	ssyncadd.s32 $0xFFFFE000  }
0x62: {  	[tilespmem:s5], [sflag:$0x9] =	stream.linear.gather [hbm4b:s14+s3], $0x2000, $0x38;
	[tilespmem:$0x1FA80] =	vst v63  }
0x63: {  	_ =	swait.ge [sflag:s9], $0x2000  }
0x64: {  	[sflag:s9] =	ssyncset.done $0x0  }
0x65: {  	s31 =	rddreg [dreg:$0x13];
	[sflag:s9] =	ssyncadd.s32 $0xFFFFE000  }
0x66: {  	[spmem:s31] =	stream.linear.scatter [tilespmem:s5], [sflag:$0x9], $0x2000, $0x38;
	[tilespmem:$0x1FA80] =	vst v63  }
0x67: {  	_ =	swait.ge [sflag:s9], $0x2000  }
0x68: {  	[sflag:s9] =	ssyncset.done $0x0  }
0x69: {  	s8 =	rddreg [dreg:$0xa];
	[sflag:s9] =	ssyncadd.s32 $0xFFFFE000  }
0x6a: {  	[tilespmem:s5], [sflag:$0x9] =	stream.linear.gather [hbm4b:s8+s3], $0x2000, $0x38;
	[tilespmem:$0x1FA80] =	vst v63  }
0x6b: {  	_ =	swait.ge [sflag:s9], $0x2000  }
0x6c: {  	[sflag:s9] =	ssyncset.done $0x0  }
0x6d: {  	s10 =	rddreg [dreg:$0x14];
	[sflag:s9] =	ssyncadd.s32 $0xFFFFE000  }
0x6e: {  	[spmem:s10] =	stream.linear.scatter [tilespmem:s5], [sflag:$0x9], $0x2000, $0x38;
	[tilespmem:$0x1FA80] =	vst v63  }
0x6f: {  	_ =	swait.ge [sflag:s9], $0x2000  }
0x70: {  	[sflag:s9] =	ssyncset.done $0x0  }
0x71: {  	s11 =	rddreg [dreg:$0xb];
	[sflag:s9] =	ssyncadd.s32 $0xFFFFE000  }
0x72: {  	[tilespmem:s5], [sflag:$0x9] =	stream.linear.gather [hbm4b:s11+s3], $0x2000, $0x38;
	[tilespmem:$0x1FA80] =	vst v63  }
0x73: {  	_ =	swait.ge [sflag:s9], $0x2000  }
0x74: {  	[sflag:s9] =	ssyncset.done $0x0  }
0x75: {  	s14 =	rddreg [dreg:$0x15];
	[sflag:s9] =	ssyncadd.s32 $0xFFFFE000  }
0x76: {  	[spmem:s14] =	stream.linear.scatter [tilespmem:s5], [sflag:$0x9], $0x2000, $0x38;
	[tilespmem:$0x1FA80] =	vst v63  }
0x77: {  	_ =	swait.ge [sflag:s9], $0x2000  }
0x78: {  	[sflag:s9] =	ssyncset.done $0x0  }
0x79: {  	s31 =	rddreg [dreg:$0xc];
	[sflag:s9] =	ssyncadd.s32 $0xFFFFE000  }
0x7a: {  	[tilespmem:s5], [sflag:$0x9] =	stream.linear.gather [hbm4b:s31+s3], $0x2000, $0x38;
	[tilespmem:$0x1FA80] =	vst v63  }
0x7b: {  	_ =	swait.ge [sflag:s9], $0x2000  }
0x7c: {  	[sflag:s9] =	ssyncset.done $0x0  }
0x7d: {  	s8 =	rddreg [dreg:$0x16];
	[sflag:s9] =	ssyncadd.s32 $0xFFFFE000  }
0x7e: {  	[spmem:s8] =	stream.linear.scatter [tilespmem:s5], [sflag:$0x9], $0x2000, $0x38;
	[tilespmem:$0x1FA80] =	vst v63  }
0x7f: {  	_ =	swait.ge [sflag:s9], $0x2000  }
0x80: {  	[sflag:s9] =	ssyncset.done $0x0  }
0x81: {  	s10 =	rddreg [dreg:$0xd];
	[sflag:s9] =	ssyncadd.s32 $0xFFFFE000  }
0x82: {  	[tilespmem:s5], [sflag:$0x9] =	stream.linear.gather [hbm4b:s10+s3], $0x2000, $0x38;
	[tilespmem:$0x1FA80] =	vst v63  }
0x83: {  	_ =	swait.ge [sflag:s9], $0x2000  }
0x84: {  	[sflag:s9] =	ssyncset.done $0x0  }
0x85: {  	s11 =	rddreg [dreg:$0x17];
	[sflag:s9] =	ssyncadd.s32 $0xFFFFE000  }
0x86: {  	[spmem:s11] =	stream.linear.scatter [tilespmem:s5], [sflag:$0x9], $0x2000, $0x38;
	[tilespmem:$0x1FA80] =	vst v63  }
0x87: {  	_ =	swait.ge [sflag:s9], $0x2000  }
0x88: {  	[sflag:s9] =	ssyncset.done $0x0  }
0x89: {  	[sflag:s9] =	ssyncadd.s32 $0xFFFFE000  }
0x8a: {  	[bflag:$0x0] =	sbarrier.arrive $0xFFFF  }
0x8b: {  	s14 =	rddreg [dreg:$0x18]  }
0x8c: {  	[tilespmem:s3], [sflag:$0x1] =	stream.linear.gather [hbm4b:s14+s3], $0x80, $0x38;
	[tilespmem:$0x1FA80] =	vst v63  }
0x8d: {  	s8 =	simm.s32 $0x100;
	s31 =	rddreg [dreg:$0x19]  }
0x8e: {  	[tilespmem:s8], [sflag:$0x1] =	stream.linear.gather [hbm4b:s31+s3], $0x80, $0x38;
	[tilespmem:$0x1FA80] =	vst v63  }
0x8f: {  	s10 =	rddreg [dreg:$0x1a]  }
0x90: {  	[tilespmem:s12], [sflag:$0x2] =	stream.linear.gather [hbm4b:s10+s3], $0x80, $0x38;
	[tilespmem:$0x1FA80] =	vst v63  }
0x91: {  	s11 =	rddreg [dreg:$0x1b];
	s14 =	simm.s32 $0x1  }
0x92: {  	[tilespmem:s13], [sflag:$0x2] =	stream.linear.gather [hbm4b:s11+s3], $0x80, $0x38;
	[tilespmem:$0x1FA80] =	vst v63  }
0x93: {  	_ =	swait.ge [sflag:s14], $0x80  }
0x94: {  	[sflag:s14] =	ssyncset.done $0x0  }
0x95: {  	[sflag:s14] =	ssyncadd.s32 $0xFFFFFF80  }
0x96: {  	_ =	swait.ge [sflag:s14], $0x80  }
0x97: {  	[sflag:s14] =	ssyncset.done $0x0  }
0x98: {  	[sflag:s14] =	ssyncadd.s32 $0xFFFFFF80  }
0x99: {  	[tilespmem:s5], [sflag:$0x3] =	stream.indirect.gather [spmem:s2], $0x80, s3, s18, $0xb8;
	[tilespmem:$0x1FA80] =	vst v63  }
0x9a: {  	s31 =	simm.s32 $0x4200;
	s11 =	simm.s32 $0x0  }
0x9b: {  	[tilespmem:s31], [sflag:$0x5] =	stream.indirect.gather [spmem:s2], $0x80, s8, s18, $0xb8;
	[tilespmem:$0x1FA80] =	vst v63  }
.LBB2_2:
0x9c: {  	_ =	swait.ge [sflag:s19], $0x80  }
0x9d: {  	[sflag:s19] =	ssyncset.done $0x0  }
0x9e: {  	[sflag:s19] =	ssyncadd.s32 $0xFFFFFF80  }
0x9f: {  	_ =	swait.ge [sflag:s19], $0x80  }
0xa0: {  	[sflag:s19] =	ssyncset.done $0x0  }
0xa1: {  	s10 =	sshll.u32 s11, $0x6;
	[sflag:s19] =	ssyncadd.s32 $0xFFFFFF80  }
0xa2: {  	[tilespmem:s20], [sflag:$0x4] =	stream.indirect.gather [spmem:s2], $0x80, s12, s18, $0xb8;
	[tilespmem:$0x1FA80] =	vst v63  }
0xa3: {  	s0 =	sadd.s32 $0x40, s10  }
0xa4: {  	[tilespmem:s21], [sflag:$0x6] =	stream.indirect.gather [spmem:s2], $0x80, s13, s18, $0xb8;
	[tilespmem:$0x1FA80] =	vst v63  }
0xa5: {  	s5 =	sor.u32 s17, s0;
	_ =	swait.ge [sflag:s22], $0x2000  }
0xa6: {  	p1 =	sgt.u32 s5, $0x1387;
	[sflag:s22] =	ssyncset.done $0x0  }
0xa7: {  	s5 =	sshll.u32 @!p1 s5, $0x4;
	[sflag:s22] =	ssyncadd.s32 $0xFFFFE000  }
0xa8: {  	s5 =	sand.u32 @!p1 $0x1FD80, s5;
	_ =	swait.ge [sflag:s23], $0x2000  }
0xa9: {  	s5 =	sor.u32 @!p1 s26, s5;
	[sflag:s23] =	ssyncset.done $0x0  }
0xaa: {  	s14 =	simm.s32 @!p1 $0x0;
	s8 =	sadd.s32 @!p1 s15, s5;
	[sflag:s23] =	ssyncadd.s32 $0xFFFFE000  }
0xab: {  	[tilespmem:s14], [sflag:$0x1] =	stream.linear.gather @!p1 [hbm4b:s8+s14], $0x80, $0x38;
	[tilespmem:$0x1FA80] =	vst v63  }
0xac: {  	s5 =	sadd.s32 @!p1 s16, s5;
	s8 =	simm.s32 @!p1 $0x100  }
0xad: {  	[tilespmem:s8], [sflag:$0x1] =	stream.linear.gather @!p1 [hbm4b:s5+s14], $0x80, $0x38;
	[tilespmem:$0x1FA80] =	vst v63  }
0xae: {  	p1 =	seq.s32 s11, $0x0  }
0xaf: {  	s5 =	simm.s32 @!p1 $0x7  }
0xb0: {  	_ =	swait.ge @!p1 [sflag:s5], $0x2000  }
0xb1: {  	[sflag:s5] =	ssyncset.done @!p1 $0x0  }
0xb2: {  	[sflag:s5] =	ssyncadd.s32 @!p1 $0xFFFFE000;
	s5 =	simm.s32 $0x0  }
0xb3: {  	v0 =	vld [tilespmem:s5+$0x270]  }
0xb4: {  	v1 =	vld [tilespmem:s5+$0x4270]  }
0xb5: {  	v2 =	vld [tilespmem:s5+$0x200]  }
0xb6: {  	v3 =	vld [tilespmem:s5+$0x4200]  }
0xb7: {  	v4 =	vld [tilespmem:s5+$0x210]  }
0xb8: {  	v5 =	vld [tilespmem:s5+$0x4210]  }
0xb9: {  	v6 =	vld [tilespmem:s5+$0x220]  }
0xba: {  	v7 =	vld [tilespmem:s5+$0x4230]  }
0xbb: {  	v0 =	vmin.f32 v0, v1;
	v1 =	vld [tilespmem:s5+$0x4220]  }
0xbc: {  	[tilespmem:s5+$0x8270] =	vst v0;
	v0 =	vmin.f32 v2, v3;
	v2 =	vld [tilespmem:s5+$0x230]  }
0xbd: {  	v8 =	vld [tilespmem:s5+$0x4240]  }
0xbe: {  	[tilespmem:s5+$0x8200] =	vst v0;
	v0 =	vmin.f32 v4, v5;
	v5 =	vld [tilespmem:s5+$0x240]  }
0xbf: {  	v3 =	vld [tilespmem:s5+$0x4250]  }
0xc0: {  	[tilespmem:s5+$0x8210] =	vst v0;
	v0 =	vld [tilespmem:s5+$0x250];
	v1 =	vmin.f32 v6, v1  }
0xc1: {  	v4 =	vld [tilespmem:s5+$0x4260];
	[tilespmem:s5+$0x8220] =	vst v1;
	v2 =	vmin.f32 v2, v7  }
0xc2: {  	s31 =	simm.s32 $0x80;
	v1 =	vld [tilespmem:s5+$0x260];
	[tilespmem:s5+$0x8230] =	vst v2  }
0xc3: {  	s14 =	sor.u32 s17, s10;
	s8 =	simm.s32 $0x400;
	v5 =	vmin.f32 v5, v8;
	v2 =	vld [tilespmem:s31+$0x270]  }
.LBB2_3:
0xc4: {  	p1 =	sne.s32 s8, $0x7E00;
	v6 =	vld [tilespmem:s31+$0x4270];
	[tilespmem:s5+$0x8240] =	vst v5  }
0xc5: {  	v5 =	vld [tilespmem:s31+$0x200];
	v0 =	vmin.f32 v0, v3  }
0xc6: {  	v3 =	vld [tilespmem:s31+$0x4200];
	[tilespmem:s5+$0x8250] =	vst v0  }
0xc7: {  	v0 =	vld [tilespmem:s31+$0x210];
	v1 =	vmin.f32 v1, v4  }
0xc8: {  	v4 =	vld [tilespmem:s31+$0x4210];
	[tilespmem:s5+$0x8260] =	vst v1;
	s5 =	smov.u32 s31  }
0xc9: {  	v1 =	vld [tilespmem:s5+$0x220];
	v2 =	vmin.f32 v2, v6  }
0xca: {  	v6 =	vld [tilespmem:s5+$0x4220];
	[tilespmem:s5+$0x8270] =	vst v2  }
0xcb: {  	v2 =	vmin.f32 v5, v3;
	v5 =	vld [tilespmem:s5+$0x230]  }
0xcc: {  	[tilespmem:s5+$0x8200] =	vst v2;
	v2 =	vld [tilespmem:s5+$0x4230]  }
0xcd: {  	v0 =	vmin.f32 v0, v4;
	v7 =	vld [tilespmem:s5+$0x240]  }
0xce: {  	[tilespmem:s5+$0x8210] =	vst v0;
	v8 =	vld [tilespmem:s5+$0x4240]  }
.Ltmp2:
0xcf: {  	v1 =	vmin.f32 v1, v6;
	v0 =	vld [tilespmem:s5+$0x250];
	(pc) =	sbr.rel @p1 .LBB2_3-.Ltmp2, $4  }
0xd0: {  	[tilespmem:s5+$0x8220] =	vst v1;
	v3 =	vld [tilespmem:s5+$0x4250]  }
0xd1: {  	v2 =	vmin.f32 v5, v2;
	v1 =	vld [tilespmem:s5+$0x260]  }
0xd2: {  	s31 =	sshra.s32 s8, $0x2;
	[tilespmem:s5+$0x8230] =	vst v2;
	v4 =	vld [tilespmem:s5+$0x4260]  }
0xd3: {  	s8 =	sadd.s32 $0x200, s8;
	v2 =	vld [tilespmem:s31+$0x270];
	v5 =	vmin.f32 v7, v8  }
0xd4: {  	v6 =	vld [tilespmem:s31+$0x4270];
	[tilespmem:s5+$0x8240] =	vst v5  }
0xd5: {  	v5 =	vld [tilespmem:s31+$0x200];
	v0 =	vmin.f32 v0, v3  }
0xd6: {  	v3 =	vld [tilespmem:s31+$0x4200];
	[tilespmem:s5+$0x8250] =	vst v0  }
0xd7: {  	v0 =	vld [tilespmem:s31+$0x210];
	v1 =	vmin.f32 v1, v4  }
0xd8: {  	v4 =	vld [tilespmem:s31+$0x4210];
	[tilespmem:s5+$0x8260] =	vst v1  }
0xd9: {  	v1 =	vld [tilespmem:s31+$0x220]  }
0xda: {  	v2 =	vmin.f32 v2, v6;
	v6 =	vld [tilespmem:s31+$0x4220]  }
0xdb: {  	[tilespmem:s31+$0x8270] =	vst v2;
	v2 =	vmin.f32 v5, v3;
	v3 =	vld [tilespmem:s31+$0x230]  }
0xdc: {  	[tilespmem:s31+$0x8200] =	vst v2;
	v2 =	vld [tilespmem:s31+$0x4230]  }
0xdd: {  	v5 =	vld [tilespmem:s31+$0x250]  }
0xde: {  	v0 =	vmin.f32 v0, v4;
	v4 =	vld [tilespmem:s31+$0x240]  }
0xdf: {  	[tilespmem:s31+$0x8210] =	vst v0;
	v0 =	vld [tilespmem:s31+$0x4240];
	v1 =	vmin.f32 v1, v6  }
0xe0: {  	[tilespmem:s31+$0x8220] =	vst v1;
	v1 =	vld [tilespmem:s31+$0x4250]  }
0xe1: {  	v2 =	vmin.f32 v3, v2;
	v3 =	vld [tilespmem:s31+$0x260]  }
0xe2: {  	[tilespmem:s31+$0x8230] =	vst v2;
	v2 =	vld [tilespmem:s31+$0x4260];
	_ =	sdelay $0x2  }
0xe3: {  	v0 =	vmin.f32 v4, v0  }
0xe4: {  	[tilespmem:s31+$0x8240] =	vst v0;
	v0 =	vmin.f32 v5, v1  }
0xe5: {  	s14 =	sshll.u32 s14, $0xA;
	p1 =	sge.u32 s0, s4;
	[tilespmem:s31+$0x8250] =	vst v0;
	v0 =	vmin.f32 v3, v2  }
0xe6: {  	s0 =	simm.s32 @!p1 $0x1;
	s5 =	sadd.s32 s1, s14;
	[tilespmem:s31+$0x8260] =	vst v0  }
0xe7: {  	[hbm4b:s5+s3] =	stream.linear.scatter [tilespmem:s24], [sflag:$0x7], $0x2000, $0x38;
	[tilespmem:$0x1FA80] =	vst v63  }
0xe8: {  	_ =	swait.ge @!p1 [sflag:s0], $0x80  }
0xe9: {  	[sflag:s0] =	ssyncset.done @!p1 $0x0  }
0xea: {  	[sflag:s0] =	ssyncadd.s32 @!p1 $0xFFFFFF80  }
0xeb: {  	_ =	swait.ge @!p1 [sflag:s0], $0x80  }
0xec: {  	s8 =	simm.s32 @!p1 $0x200;
	[sflag:s0] =	ssyncset.done @!p1 $0x0  }
0xed: {  	s5 =	simm.s32 @!p1 $0x0;
	[sflag:s0] =	ssyncadd.s32 @!p1 $0xFFFFFF80;
	s0 =	simm.s32 @!p1 $0x40  }
0xee: {  	[tilespmem:s8], [sflag:$0x3] =	stream.indirect.gather @!p1 [spmem:s2], $0x80, s5, s0, $0xb8;
	[tilespmem:$0x1FA80] =	vst v63  }
0xef: {  	s5 =	simm.s32 @!p1 $0x100;
	s8 =	simm.s32 @!p1 $0x4200  }
0xf0: {  	[tilespmem:s8], [sflag:$0x5] =	stream.indirect.gather @!p1 [spmem:s2], $0x80, s5, s0, $0xb8;
	[tilespmem:$0x1FA80] =	vst v63  }
0xf1: {  	p1 =	seq.s32 s11, $0x4D  }
0xf2: {  	s0 =	sadd.s32 @!p1 s7, s10  }
0xf3: {  	_ =	swait.ge [sflag:s25], $0x2000;
	p2 =	sgt.u32 @!p1 s0, $0x1387  }
0xf4: {  	[sflag:s25] =	ssyncset.done $0x0;
	p2 =	por p2, p1  }
0xf5: {  	[sflag:s25] =	ssyncadd.s32 $0xFFFFE000;
	s0 =	sshll.u32 @!p2 s0, $0x4  }
0xf6: {  	_ =	swait.ge [sflag:s28], $0x2000;
	s0 =	sand.u32 @!p2 $0x1FF80, s0  }
0xf7: {  	s8 =	simm.s32 @!p2 $0x0;
	[sflag:s28] =	ssyncset.done $0x0;
	s0 =	sor.u32 @!p2 s26, s0  }
0xf8: {  	s10 =	simm.s32 @!p2 $0x80;
	[sflag:s28] =	ssyncadd.s32 $0xFFFFE000;
	s5 =	sadd.s32 @!p2 s15, s0  }
0xf9: {  	[tilespmem:s10], [sflag:$0x2] =	stream.linear.gather @!p2 [hbm4b:s5+s8], $0x80, $0x38;
	[tilespmem:$0x1FA80] =	vst v63  }
0xfa: {  	s0 =	sadd.s32 @!p2 s16, s0;
	s5 =	simm.s32 @!p2 $0x180  }
0xfb: {  	[tilespmem:s5], [sflag:$0x2] =	stream.linear.gather @!p2 [hbm4b:s0+s8], $0x80, $0x38;
	[tilespmem:$0x1FA80] =	vst v63  }
0xfc: {  	p2 =	seq.s32 @!p1 s11, $0x0  }
0xfd: {  	p1 =	por p1, !p2  }
0xfe: {  	_ =	swait.ge @p1 [sflag:s30], $0x2000  }
0xff: {  	[sflag:s30] =	ssyncset.done @p1 $0x0  }
0x100: {  	s0 =	simm.s32 $0x0;
	[sflag:s30] =	ssyncadd.s32 @p1 $0xFFFFE000  }
0x101: {  	v0 =	vld [tilespmem:s0+$0x2270]  }
0x102: {  	v1 =	vld [tilespmem:s0+$0x6270]  }
0x103: {  	v2 =	vld [tilespmem:s0+$0x2200]  }
0x104: {  	v3 =	vld [tilespmem:s0+$0x6200]  }
0x105: {  	v4 =	vld [tilespmem:s0+$0x2210]  }
0x106: {  	v5 =	vld [tilespmem:s0+$0x6210]  }
0x107: {  	v6 =	vld [tilespmem:s0+$0x2220]  }
0x108: {  	v0 =	vmin.f32 v0, v1;
	v1 =	vld [tilespmem:s0+$0x6220]  }
0x109: {  	[tilespmem:s0+$0xA270] =	vst v0;
	v0 =	vmin.f32 v2, v3;
	v2 =	vld [tilespmem:s0+$0x2230]  }
0x10a: {  	[tilespmem:s0+$0xA200] =	vst v0;
	v0 =	vld [tilespmem:s0+$0x6230]  }
0x10b: {  	v7 =	vld [tilespmem:s0+$0x6240]  }
0x10c: {  	v3 =	vmin.f32 v4, v5;
	v5 =	vld [tilespmem:s0+$0x2240]  }
0x10d: {  	[tilespmem:s0+$0xA210] =	vst v3;
	v3 =	vmin.f32 v6, v1;
	v1 =	vld [tilespmem:s0+$0x2250]  }
0x10e: {  	[tilespmem:s0+$0xA220] =	vst v3;
	v3 =	vld [tilespmem:s0+$0x6250]  }
0x10f: {  	v4 =	vld [tilespmem:s0+$0x6260];
	v0 =	vmin.f32 v2, v0  }
0x110: {  	s5 =	simm.s32 $0x80;
	v2 =	vld [tilespmem:s0+$0x2260];
	[tilespmem:s0+$0xA230] =	vst v0  }
0x111: {  	s8 =	simm.s32 $0x400;
	v5 =	vmin.f32 v5, v7;
	v0 =	vld [tilespmem:s5+$0x2270]  }
.LBB2_5:
0x112: {  	p1 =	sne.s32 s8, $0x7E00;
	v6 =	vld [tilespmem:s5+$0x6270];
	[tilespmem:s0+$0xA240] =	vst v5  }
0x113: {  	v5 =	vld [tilespmem:s5+$0x2200];
	v1 =	vmin.f32 v1, v3  }
0x114: {  	v3 =	vld [tilespmem:s5+$0x6200];
	[tilespmem:s0+$0xA250] =	vst v1  }
0x115: {  	v1 =	vld [tilespmem:s5+$0x2210];
	v2 =	vmin.f32 v2, v4  }
0x116: {  	v4 =	vld [tilespmem:s5+$0x6210];
	[tilespmem:s0+$0xA260] =	vst v2;
	s0 =	smov.u32 s5  }
0x117: {  	v2 =	vld [tilespmem:s0+$0x2220];
	v0 =	vmin.f32 v0, v6  }
0x118: {  	v6 =	vld [tilespmem:s0+$0x6220];
	[tilespmem:s0+$0xA270] =	vst v0  }
0x119: {  	v0 =	vmin.f32 v5, v3;
	v5 =	vld [tilespmem:s0+$0x2230]  }
0x11a: {  	[tilespmem:s0+$0xA200] =	vst v0;
	v0 =	vld [tilespmem:s0+$0x6230]  }
0x11b: {  	v1 =	vmin.f32 v1, v4;
	v7 =	vld [tilespmem:s0+$0x2240]  }
0x11c: {  	[tilespmem:s0+$0xA210] =	vst v1;
	v8 =	vld [tilespmem:s0+$0x6240]  }
.Ltmp3:
0x11d: {  	v2 =	vmin.f32 v2, v6;
	v1 =	vld [tilespmem:s0+$0x2250];
	(pc) =	sbr.rel @p1 .LBB2_5-.Ltmp3, $4  }
0x11e: {  	[tilespmem:s0+$0xA220] =	vst v2;
	v3 =	vld [tilespmem:s0+$0x6250]  }
0x11f: {  	v0 =	vmin.f32 v5, v0;
	v2 =	vld [tilespmem:s0+$0x2260]  }
0x120: {  	s5 =	sshra.s32 s8, $0x2;
	[tilespmem:s0+$0xA230] =	vst v0;
	v4 =	vld [tilespmem:s0+$0x6260]  }
0x121: {  	s8 =	sadd.s32 $0x200, s8;
	v0 =	vld [tilespmem:s5+$0x2270];
	v5 =	vmin.f32 v7, v8  }
0x122: {  	v6 =	vld [tilespmem:s5+$0x6270];
	[tilespmem:s0+$0xA240] =	vst v5  }
0x123: {  	v5 =	vld [tilespmem:s5+$0x2200];
	v1 =	vmin.f32 v1, v3  }
0x124: {  	v51 =	vld [tilespmem:s5+$0x6200];
	[tilespmem:s0+$0xA250] =	vst v1  }
0x125: {  	v1 =	vld [tilespmem:s5+$0x2210];
	v2 =	vmin.f32 v2, v4  }
0x126: {  	v52 =	vld [tilespmem:s5+$0x6210];
	[tilespmem:s0+$0xA260] =	vst v2  }
0x127: {  	v2 =	vld [tilespmem:s5+$0x2220]  }
0x128: {  	v53 =	vld [tilespmem:s5+$0x6220]  }
0x129: {  	v55 =	vld [tilespmem:s5+$0x2230]  }
0x12a: {  	v56 =	vld [tilespmem:s5+$0x6230]  }
0x12b: {  	v57 =	vld [tilespmem:s5+$0x2240]  }
0x12c: {  	v58 =	vld [tilespmem:s5+$0x6240]  }
0x12d: {  	v59 =	vld [tilespmem:s5+$0x2250]  }
0x12e: {  	v0 =	vmin.f32 v0, v6;
	v60 =	vld [tilespmem:s5+$0x6250]  }
0x12f: {  	v61 =	vld [tilespmem:s5+$0x2260];
	[tilespmem:s5+$0xA270] =	vst v0;
	v54 =	vmin.f32 v5, v51  }
0x130: {  	v62 =	vld [tilespmem:s5+$0x6260];
	[tilespmem:s5+$0xA200] =	vst v54;
	v1 =	vmin.f32 v1, v52  }
0x131: {  	s31 =	sshll.u32 s11, $0x10;
	s11 =	sadd.s32 $0x1, s11;
	[tilespmem:s5+$0xA210] =	vst v1;
	v2 =	vmin.f32 v2, v53  }
0x132: {  	p1 =	sne.s32 s11, $0x4E;
	v0 =	vmin.f32 v55, v56;
	[tilespmem:s5+$0xA220] =	vst v2  }
.Ltmp4:
0x133: {  	v1 =	vmin.f32 v57, v58;
	[tilespmem:s5+$0xA230] =	vst v0;
	(pc) =	sbr.rel @p1 .LBB2_2-.Ltmp4, $4  }
0x134: {  	v63 =	vmin.f32 v59, v60;
	[tilespmem:s5+$0xA240] =	vst v1  }
0x135: {  	s0 =	sor.u32 s6, s31;
	[tilespmem:s5+$0xA250] =	vst v63;
	v0 =	vmin.f32 v61, v62  }
0x136: {  	s0 =	sadd.s32 s1, s0;
	[tilespmem:s5+$0xA260] =	vst v0  }
0x137: {  	[hbm4b:s0+s3] =	stream.linear.scatter [tilespmem:s29], [sflag:$0x8], $0x2000, $0x38;
	[tilespmem:$0x1FA80] =	vst v63  }
.Ltmp5:
0x138: {  	(pc) =	sbr.rel @p0 .LBB2_8-.Ltmp5, $1  }
0x139: {  	_ =	sdelay $0x3  }
0x13a: {  	_ =	swait.ge [sflag:s22], $0x2000  }
0x13b: {  	[sflag:s22] =	ssyncset.done $0x0  }
0x13c: {  	[sflag:s22] =	ssyncadd.s32 $0xFFFFE000  }
0x13d: {  	_ =	swait.ge [sflag:s23], $0x2000  }
0x13e: {  	[sflag:s23] =	ssyncset.done $0x0  }
0x13f: {  	s0 =	simm.s32 $0x7;
	[sflag:s23] =	ssyncadd.s32 $0xFFFFE000  }
0x140: {  	_ =	swait.ge [sflag:s0], $0x2000  }
0x141: {  	[sflag:s0] =	ssyncset.done $0x0  }
0x142: {  	[sflag:s0] =	ssyncadd.s32 $0xFFFFE000;
	s0 =	simm.s32 $0x0  }
0x143: {  	v0 =	vld [tilespmem:s0+$0x270]  }
0x144: {  	v1 =	vld [tilespmem:s0+$0x4270]  }
0x145: {  	v2 =	vld [tilespmem:s0+$0x200]  }
0x146: {  	v3 =	vld [tilespmem:s0+$0x4200]  }
0x147: {  	v4 =	vld [tilespmem:s0+$0x210]  }
0x148: {  	v5 =	vld [tilespmem:s0+$0x4210]  }
0x149: {  	v6 =	vld [tilespmem:s0+$0x220]  }
0x14a: {  	v0 =	vmin.f32 v0, v1;
	v1 =	vld [tilespmem:s0+$0x4220]  }
0x14b: {  	[tilespmem:s0+$0x8270] =	vst v0;
	v0 =	vmin.f32 v2, v3;
	v2 =	vld [tilespmem:s0+$0x230]  }
0x14c: {  	[tilespmem:s0+$0x8200] =	vst v0;
	v0 =	vld [tilespmem:s0+$0x4230]  }
0x14d: {  	v7 =	vld [tilespmem:s0+$0x4240]  }
0x14e: {  	v3 =	vmin.f32 v4, v5;
	v5 =	vld [tilespmem:s0+$0x240]  }
0x14f: {  	[tilespmem:s0+$0x8210] =	vst v3;
	v3 =	vmin.f32 v6, v1;
	v1 =	vld [tilespmem:s0+$0x250]  }
0x150: {  	[tilespmem:s0+$0x8220] =	vst v3;
	v3 =	vld [tilespmem:s0+$0x4250]  }
0x151: {  	v4 =	vld [tilespmem:s0+$0x4260];
	v0 =	vmin.f32 v2, v0  }
0x152: {  	s5 =	simm.s32 $0x80;
	v2 =	vld [tilespmem:s0+$0x260];
	[tilespmem:s0+$0x8230] =	vst v0  }
0x153: {  	s8 =	simm.s32 $0x400;
	v5 =	vmin.f32 v5, v7;
	v0 =	vld [tilespmem:s5+$0x270]  }
.LBB2_10:
0x154: {  	p1 =	sne.s32 s8, $0x7E00;
	v6 =	vld [tilespmem:s5+$0x4270];
	[tilespmem:s0+$0x8240] =	vst v5  }
0x155: {  	v5 =	vld [tilespmem:s5+$0x200];
	v1 =	vmin.f32 v1, v3  }
0x156: {  	v3 =	vld [tilespmem:s5+$0x4200];
	[tilespmem:s0+$0x8250] =	vst v1  }
0x157: {  	v1 =	vld [tilespmem:s5+$0x210];
	v2 =	vmin.f32 v2, v4  }
0x158: {  	v4 =	vld [tilespmem:s5+$0x4210];
	[tilespmem:s0+$0x8260] =	vst v2;
	s0 =	smov.u32 s5  }
0x159: {  	v2 =	vld [tilespmem:s0+$0x220];
	v0 =	vmin.f32 v0, v6  }
0x15a: {  	v6 =	vld [tilespmem:s0+$0x4220];
	[tilespmem:s0+$0x8270] =	vst v0  }
0x15b: {  	v0 =	vmin.f32 v5, v3;
	v5 =	vld [tilespmem:s0+$0x230]  }
0x15c: {  	[tilespmem:s0+$0x8200] =	vst v0;
	v0 =	vld [tilespmem:s0+$0x4230]  }
0x15d: {  	v1 =	vmin.f32 v1, v4;
	v7 =	vld [tilespmem:s0+$0x240]  }
0x15e: {  	[tilespmem:s0+$0x8210] =	vst v1;
	v8 =	vld [tilespmem:s0+$0x4240]  }
.Ltmp6:
0x15f: {  	v2 =	vmin.f32 v2, v6;
	v1 =	vld [tilespmem:s0+$0x250];
	(pc) =	sbr.rel @p1 .LBB2_10-.Ltmp6, $4  }
0x160: {  	[tilespmem:s0+$0x8220] =	vst v2;
	v3 =	vld [tilespmem:s0+$0x4250]  }
0x161: {  	v0 =	vmin.f32 v5, v0;
	v2 =	vld [tilespmem:s0+$0x260]  }
0x162: {  	s5 =	sshra.s32 s8, $0x2;
	[tilespmem:s0+$0x8230] =	vst v0;
	v4 =	vld [tilespmem:s0+$0x4260]  }
0x163: {  	s8 =	sadd.s32 $0x200, s8;
	v0 =	vld [tilespmem:s5+$0x270];
	v5 =	vmin.f32 v7, v8  }
0x164: {  	v6 =	vld [tilespmem:s5+$0x4270];
	[tilespmem:s0+$0x8240] =	vst v5  }
0x165: {  	v5 =	vld [tilespmem:s5+$0x200];
	v1 =	vmin.f32 v1, v3  }
0x166: {  	v51 =	vld [tilespmem:s5+$0x4200];
	[tilespmem:s0+$0x8250] =	vst v1  }
0x167: {  	v1 =	vld [tilespmem:s5+$0x210];
	v2 =	vmin.f32 v2, v4  }
0x168: {  	v52 =	vld [tilespmem:s5+$0x4210];
	[tilespmem:s0+$0x8260] =	vst v2  }
0x169: {  	v2 =	vld [tilespmem:s5+$0x220]  }
0x16a: {  	v53 =	vld [tilespmem:s5+$0x4220]  }
0x16b: {  	v55 =	vld [tilespmem:s5+$0x230]  }
0x16c: {  	v56 =	vld [tilespmem:s5+$0x4230]  }
0x16d: {  	v57 =	vld [tilespmem:s5+$0x240]  }
0x16e: {  	v58 =	vld [tilespmem:s5+$0x4240]  }
0x16f: {  	v59 =	vld [tilespmem:s5+$0x250]  }
0x170: {  	v0 =	vmin.f32 v0, v6;
	v60 =	vld [tilespmem:s5+$0x4250]  }
0x171: {  	v61 =	vld [tilespmem:s5+$0x260];
	[tilespmem:s5+$0x8270] =	vst v0;
	v54 =	vmin.f32 v5, v51  }
0x172: {  	v62 =	vld [tilespmem:s5+$0x4260];
	[tilespmem:s5+$0x8200] =	vst v54;
	v1 =	vmin.f32 v1, v52  }
0x173: {  	[tilespmem:s5+$0x8210] =	vst v1;
	v2 =	vmin.f32 v2, v53  }
0x174: {  	v0 =	vmin.f32 v55, v56;
	[tilespmem:s5+$0x8220] =	vst v2  }
.Ltmp7:
0x175: {  	v1 =	vmin.f32 v57, v58;
	[tilespmem:s5+$0x8230] =	vst v0;
	(pc) =	sbr.rel .LBB2_12-.Ltmp7, $4  }
0x176: {  	v63 =	vmin.f32 v59, v60;
	[tilespmem:s5+$0x8240] =	vst v1  }
0x177: {  	s31 =	rddreg [dreg:$0x1c];
	[tilespmem:s5+$0x8250] =	vst v63;
	v0 =	vmin.f32 v61, v62  }
0x178: {  	s8 =	rddreg [dreg:$0x1e];
	s0 =	simm.s32 $0x7;
	[tilespmem:s5+$0x8260] =	vst v0;
	s5 =	simm.s32 $0x8  }
0x179: {  	[hbm4b:s31+s3] =	stream.linear.scatter [tilespmem:s24], [sflag:$0x7], $0x2000, $0x38;
	[tilespmem:$0x1FA80] =	vst v63  }
.LBB2_13:
0x17a: {  	_ =	sfence.sel $0x180000  }
0x17b: {  	[bflag:$0x0] =	sbarrier.arrive $0xFFFF  }
0x17c: {  	_ =	strace $0x90000047  }
0x17d: {  	s0 =	stileid.u32;
	[bflag:$0x2] =	sbarrier.arrive $0xFFFF  }
0x17e: {  	p0 =	sne.s32 s0, $0x0;
	s0 =	rddreg [dreg:$0x3]  }
0x17f: {  	s0 =	sadd.s32 @!p0 $0x100000, s0  }
0x180: {  	[sflag:s0] =	ssyncadd.tile.s32 @!p0 $0x1;
	_ =	shalt  }
.Lfunc_end2:
_tile_overlayer_lowered:
.L_overlay_start_2:
0x181: {  	(tag) =	ssettag $0x2  }
0x182: {  	s0 =	rddreg [dreg:$0x0];
	s2 =	stileid.u32  }
0x183: {  	s1 =	rddreg [dreg:$0x1];
	p0 =	sne.s32 s2, $0x0  }
0x184: {  	s3 =	rddreg [dreg:$0x2];
	[bflag:$0x3] =	sbarrier.arrive $0xFFFF;
	s2 =	simm.s32 @!p0 $0x1C09  }
0x185: {  	[timem:s3], [sflag:s2] =	dma.local @!p0 [hbm:s0], s1  }
0x186: {  	s0 =	simm.s32 @!p0 $0x9  }
0x187: {  	_ =	swait.ge @!p0 [sflag:s0], s1  }
0x188: {  	s1 =	ssub.s32 @!p0 $0x0, s1;
	[sflag:s0] =	ssyncset.done @!p0 $0x0  }
0x189: {  	[sflag:s0] =	ssyncadd.s32 @!p0 s1  }
0x18a: {  	[bflag:$0x3] =	sbarrier.arrive $0xFFFF  }
0x18b: {  	_ =	shalt  }

</sc_bundles>
